<compile_context>
chip_gen: v7x
topology: tpu7x:2x2x1
jax: 0.10.2.dev20260603
libtpu: 0.0.44.dev20260713+nightly
codegen_flags: <defaults>
</compile_context>

<pallas_src>
import jax
import jax.numpy as jnp
from jax import lax
from jax.experimental import pallas as pl
from jax.experimental.pallas import tpu as pltpu
from jax.experimental.pallas import tpu_sc as plsc

B = 16384
K = 128
NC = 2
NS = 16
NW = NC * NS
BPW = B // NW
NCHUNK = 4
CH = BPW // NCHUNK
G = CH // 16
SGW = 16
SGW_SHIFT = SGW.bit_length() - 1


def _dina_body(stu_hbm, exe_hbm, know_hbm, theta_hbm, slip_hbm, guess_hbm,
               out_hbm, sidx, eidx, ridx,
               theta_a, know_a, slip_a, guess_a, out_a,
               theta_b, know_b, slip_b, guess_b, out_b,
               in_sem_a, in_sem_b, out_sem_a, out_sem_b):
    c = lax.axis_index("c")
    s = lax.axis_index("s")
    wid = s * NC + c
    base = wid * BPW

    iota = lax.iota(jnp.int32, 16)
    zf = jnp.zeros((16,), jnp.float32)

    bufs = [
        (theta_a, know_a, slip_a, guess_a, out_a, in_sem_a, out_sem_a),
        (theta_b, know_b, slip_b, guess_b, out_b, in_sem_b, out_sem_b),
    ]

    h_kn0 = pltpu.async_copy(know_hbm.at[pl.ds(base, CH)], know_a, in_sem_a)
    h_s = pltpu.async_copy(stu_hbm.at[wid], sidx, in_sem_b)
    h_e = pltpu.async_copy(exe_hbm.at[wid], eidx, in_sem_b)
    h_s.wait()
    h_th0 = pltpu.async_copy(theta_hbm.at[sidx.at[0]], theta_a, in_sem_a)
    h_e.wait()

    for j in range(NCHUNK):
        ej = eidx.at[j]
        rj = ridx.at[j]

        @plsc.parallel_loop(0, G)
        def _(i):
            ids = ej[pl.ds(i * 16, 16)]
            rj[pl.ds(i * 16, 16)] = lax.shift_right_logical(ids, SGW_SHIFT)

    def issue(j, slot):
        theta_v, know_v, slip_v, guess_v, _, in_sem, _ = bufs[slot]
        return (
            pltpu.async_copy(theta_hbm.at[sidx.at[j]], theta_v, in_sem),
            pltpu.async_copy(know_hbm.at[pl.ds(base + j * CH, CH)], know_v,
                             in_sem),
            pltpu.async_copy(slip_hbm.at[ridx.at[j]], slip_v, in_sem),
            pltpu.async_copy(guess_hbm.at[ridx.at[j]], guess_v, in_sem),
        )

    in_flight = (
        h_kn0,
        h_th0,
        pltpu.async_copy(slip_hbm.at[ridx.at[0]], slip_a, in_sem_a),
        pltpu.async_copy(guess_hbm.at[ridx.at[0]], guess_a, in_sem_a),
    )
    out_flight = [None, None]

    for j in range(NCHUNK):
        slot = j % 2
        theta_v, know_v, slip_v, guess_v, out_v, in_sem, out_sem = bufs[slot]
        for h in in_flight:
            h.wait()
        if j + 1 < NCHUNK:
            in_flight = issue(j + 1, 1 - slot)
        if out_flight[slot] is not None:
            out_flight[slot].wait()
        ej = eidx.at[j]

        def group_body(g, _):
            rows = iota + g * 16

            @plsc.parallel_loop(0, K, 2, unroll=8, carry=(zf, zf, zf, zf, iota))
            def k_loop(k, cr):
                a1e, a2e, a1o, a2o, col = cr
                cole = col
                colo = lax.bitwise_and(col + 1, K - 1)
                the = plsc.load_gather(theta_v, [rows, cole])
                kne = plsc.load_gather(know_v, [rows, cole])
                tho = plsc.load_gather(theta_v, [rows, colo])
                kno = plsc.load_gather(know_v, [rows, colo])
                qe = kne / (1.0 + jnp.exp(the))
                qo = kno / (1.0 + jnp.exp(tho))
                return (a1e + qe, a2e + kne, a1o + qo, a2o + kno,
                        lax.bitwise_and(col + 2, K - 1))

            b1, a2e, b2, a2o, _ = k_loop
            n = 0.5 * (a2e + a2o) - (b1 + b2)
            w = 1.0 - 1.0 / (1.0 + jnp.exp(n * (1.0 / 50.0)))
            ids = ej[pl.ds(g * 16, 16)]
            col = lax.bitwise_and(ids, SGW - 1)
            sr = plsc.load_gather(slip_v, [rows, col])
            gr = plsc.load_gather(guess_v, [rows, col])
            sl = 0.4 - 0.4 / (1.0 + jnp.exp(sr))
            gu = 0.4 - 0.4 / (1.0 + jnp.exp(gr))
            out_v[pl.ds(g * 16, 16)] = (1.0 - sl) * w + gu * (1.0 - w)
            return 0

        lax.fori_loop(0, G, group_body, 0)
        out_flight[slot] = pltpu.async_copy(
            out_v, out_hbm.at[pl.ds(base + j * CH, CH)], out_sem)

    for h in out_flight:
        if h is not None:
            h.wait()


@jax.jit
def _dina(stu2, exe2, knowledge_id, theta_table, slip16, guess16):
    mesh = plsc.VectorSubcoreMesh(core_axis_name="c", subcore_axis_name="s")
    f = pl.kernel(
        _dina_body,
        mesh=mesh,
        compiler_params=pltpu.CompilerParams(
            needs_layout_passes=False, use_tc_tiling_on_sc=False),
        out_type=jax.ShapeDtypeStruct((B,), jnp.float32),
        scratch_types=[
            pltpu.VMEM((NCHUNK, CH), jnp.int32),
            pltpu.VMEM((NCHUNK, CH), jnp.int32),
            pltpu.VMEM((NCHUNK, CH), jnp.int32),
            pltpu.VMEM((CH, K), jnp.float32),
            pltpu.VMEM((CH, K), jnp.float32),
            pltpu.VMEM((CH, SGW), jnp.float32),
            pltpu.VMEM((CH, SGW), jnp.float32),
            pltpu.VMEM((CH,), jnp.float32),
            pltpu.VMEM((CH, K), jnp.float32),
            pltpu.VMEM((CH, K), jnp.float32),
            pltpu.VMEM((CH, SGW), jnp.float32),
            pltpu.VMEM((CH, SGW), jnp.float32),
            pltpu.VMEM((CH,), jnp.float32),
            pltpu.SemaphoreType.DMA,
            pltpu.SemaphoreType.DMA,
            pltpu.SemaphoreType.DMA,
            pltpu.SemaphoreType.DMA,
        ],
    )
    return f(stu2, exe2, knowledge_id, theta_table, slip16, guess16)


def kernel(student_id, exercise_id, knowledge_id, theta_table, slip_table,
           guess_table):
    stu2 = student_id.reshape(NW, NCHUNK, CH)
    exe2 = exercise_id.reshape(NW, NCHUNK, CH)
    slip16 = slip_table.reshape(-1, SGW)
    guess16 = guess_table.reshape(-1, SGW)
    return _dina(stu2, exe2, knowledge_id, theta_table, slip16, guess16)

# --- scband reference (transcript-rebuilt; emitter-appended) ---
"""Pipeline reference for scband-neural-dina-21517786153309 (READ-ONLY COPY).

The authoritative reference and input builder live on the scoring server;
editing this copy changes nothing except your own understanding.
"""

import jax, jax.numpy as jnp
import numpy as np

STUDENT_NUM = 100000
EXERCISE_NUM = 100000
KNOWLEDGE_NUM = 128
BATCH = 16384
MAX_SLIP = 0.4
MAX_GUESS = 0.4


def setup_inputs(seed: int = 0) -> dict:
    key = jax.random.key(seed)
    k1, k2, k3, k4, k5, k6 = jax.random.split(key, 6)
    student_id = jax.random.randint(k1, (BATCH,), 0, STUDENT_NUM, dtype=jnp.int32)
    exercise_id = jax.random.randint(k2, (BATCH,), 0, EXERCISE_NUM, dtype=jnp.int32)
    # binary Q-matrix rows (knowledge mask), float as in the torch forward math
    knowledge_id = jax.random.randint(k3, (BATCH, KNOWLEDGE_NUM), 0, 2).astype(jnp.float32)
    # learned parameters
    theta_table = jax.random.normal(k4, (STUDENT_NUM, KNOWLEDGE_NUM), dtype=jnp.float32)
    slip_table = jax.random.normal(k5, (EXERCISE_NUM, 1), dtype=jnp.float32)
    guess_table = jax.random.normal(k6, (EXERCISE_NUM, 1), dtype=jnp.float32)
    return {
        "student_id": student_id,
        "exercise_id": exercise_id,
        "knowledge_id": knowledge_id,
        "theta_table": theta_table,
        "slip_table": slip_table,
        "guess_table": guess_table,
    }


def reference(student_id, exercise_id, knowledge_id, theta_table, slip_table, guess_table):
    # Embedding gathers
    theta = jnp.take(theta_table, student_id, axis=0)                      # [B, K]
    slip = jnp.squeeze(jax.nn.sigmoid(jnp.take(slip_table, exercise_id, axis=0)) * MAX_SLIP)
    guess = jnp.squeeze(jax.nn.sigmoid(jnp.take(guess_table, exercise_id, axis=0)) * MAX_GUESS)
    # Training-mode path with step=0 (deterministic first call):
    # t = max((sin(2*pi*0/1000)+1)/2*100, 1e-6) = 50.0
    n = jnp.sum(knowledge_id * (jax.nn.sigmoid(theta) - 0.5), axis=1)      # [B]
    t = max((np.sin(2 * np.pi * 0 / 1000) + 1) / 2 * 100, 1e-06)
    logits = jnp.stack([n, jnp.zeros_like(n)]).T / t                       # [B, 2]
    weights = jax.nn.softmax(logits, axis=-1)                              # [B, 2]
    vals = jnp.stack([1 - slip, guess]).T                                  # [B, 2]
    return jnp.sum(vals * weights, axis=1)                                 # [B]

if __name__ == "__main__":
    import jax
    _d = setup_inputs()
    print(jax.jit(kernel)(*tuple(_d.values())))

</pallas_src>

<mosaic_0001>
#map = affine_map<(d0, d1) -> (0, 0, 0)>
#map1 = affine_map<(d0, d1) -> (0, 0)>
#map2 = affine_map<(d0, d1) -> (0)>
module attributes {stable_mosaic.version = 14 : i64} {
  func.func @_dina_body(%arg0: i32, %arg1: i32, %arg2: memref<32x4x128xi32, #tpu.memory_space<hbm>>, %arg3: memref<32x4x128xi32, #tpu.memory_space<hbm>>, %arg4: memref<16384x128xf32, #tpu.memory_space<hbm>>, %arg5: memref<100000x128xf32, #tpu.memory_space<hbm>>, %arg6: memref<6250x16xf32, #tpu.memory_space<hbm>>, %arg7: memref<6250x16xf32, #tpu.memory_space<hbm>>, %arg8: memref<16384xf32, #tpu.memory_space<hbm>>, %arg9: memref<4x128xi32, #tpu.memory_space<vmem>>, %arg10: memref<4x128xi32, #tpu.memory_space<vmem>>, %arg11: memref<4x128xi32, #tpu.memory_space<vmem>>, %arg12: memref<128x128xf32, #tpu.memory_space<vmem>>, %arg13: memref<128x128xf32, #tpu.memory_space<vmem>>, %arg14: memref<128x16xf32, #tpu.memory_space<vmem>>, %arg15: memref<128x16xf32, #tpu.memory_space<vmem>>, %arg16: memref<128xf32, #tpu.memory_space<vmem>>, %arg17: memref<128x128xf32, #tpu.memory_space<vmem>>, %arg18: memref<128x128xf32, #tpu.memory_space<vmem>>, %arg19: memref<128x16xf32, #tpu.memory_space<vmem>>, %arg20: memref<128x16xf32, #tpu.memory_space<vmem>>, %arg21: memref<128xf32, #tpu.memory_space<vmem>>, %arg22: memref<!tpu.dma_semaphore, #tpu.memory_space<semaphore_mem>>, %arg23: memref<!tpu.dma_semaphore, #tpu.memory_space<semaphore_mem>>, %arg24: memref<!tpu.dma_semaphore, #tpu.memory_space<semaphore_mem>>, %arg25: memref<!tpu.dma_semaphore, #tpu.memory_space<semaphore_mem>>) attributes {dimension_semantics = [#tpu.dimension_semantics<core_parallel>, #tpu.dimension_semantics<subcore_parallel>], iteration_bounds = array<i64: 2, 16>, scalar_prefetch = 0 : i64, scratch_operands = 17 : i64, tpu.core_type = #tpu.core_type<sc_vector_subcore>, window_params = [{transform_indices = #map}, {transform_indices = #map}, {transform_indices = #map1}, {transform_indices = #map1}, {transform_indices = #map1}, {transform_indices = #map1}, {transform_indices = #map2}]} {
    %mul3A = arith.constant 2 : i32
    %mul3A_0 = arith.muli %arg1, %mul3A : i32
    %add3A = arith.addi %mul3A_0, %arg0 : i32
    %mul3A_1 = arith.constant 512 : i32
    %mul3A_2 = arith.muli %add3A, %mul3A_1 : i32
    %iota3A = tpu.iota {dimensions = array<i32: 0>} : vector<16xi32>
    %broadcast_in_dim3A = arith.constant 0.000000e+00 : f32
    %broadcast_in_dim3A_3 = vector.broadcast %broadcast_in_dim3A : f32 to vector<16xf32>
    %dma_start3A = arith.constant 0 : i32
    %dma_start3A_4 = tpu.memref_slice %arg4[%mul3A_2, %dma_start3A] : memref<16384x128xf32, #tpu.memory_space<hbm>> -> memref<128x128xf32, #tpu.memory_space<hbm>>
    %dma_start3A_5 = arith.constant 0 : i32
    %dma_start3A_6 = tpu.memref_slice %arg4[%mul3A_2, %dma_start3A_5] : memref<16384x128xf32, #tpu.memory_space<hbm>> -> memref<128x128xf32, #tpu.memory_space<hbm>>
    tpu.enqueue_dma source(%dma_start3A_6 : memref<128x128xf32, #tpu.memory_space<hbm>>) target(%arg13 : memref<128x128xf32, #tpu.memory_space<vmem>>) target_semaphore(%arg22 : memref<!tpu.dma_semaphore, #tpu.memory_space<semaphore_mem>>)
    %dma_start3A_7 = arith.constant 0 : i32
    %dma_start3A_8 = arith.constant 0 : i32
    %dma_start3A_9 = tpu.memref_slice %arg2[%add3A, %dma_start3A_7, %dma_start3A_8] : memref<32x4x128xi32, #tpu.memory_space<hbm>> -> memref<1x4x128xi32, #tpu.memory_space<hbm>>
    %dma_start3A_10 = tpu.memref_squeeze %dma_start3A_9 : memref<1x4x128xi32, #tpu.memory_space<hbm>> -> memref<4x128xi32, #tpu.memory_space<hbm>>
    %dma_start3A_11 = arith.constant 0 : i32
    %dma_start3A_12 = arith.constant 0 : i32
    %dma_start3A_13 = tpu.memref_slice %arg2[%add3A, %dma_start3A_11, %dma_start3A_12] : memref<32x4x128xi32, #tpu.memory_space<hbm>> -> memref<1x4x128xi32, #tpu.memory_space<hbm>>
    %dma_start3A_14 = tpu.memref_squeeze %dma_start3A_13 : memref<1x4x128xi32, #tpu.memory_space<hbm>> -> memref<4x128xi32, #tpu.memory_space<hbm>>
    tpu.enqueue_dma source(%dma_start3A_14 : memref<4x128xi32, #tpu.memory_space<hbm>>) target(%arg9 : memref<4x128xi32, #tpu.memory_space<vmem>>) target_semaphore(%arg23 : memref<!tpu.dma_semaphore, #tpu.memory_space<semaphore_mem>>)
    %dma_start3A_15 = arith.constant 0 : i32
    %dma_start3A_16 = arith.constant 0 : i32
    %dma_start3A_17 = tpu.memref_slice %arg3[%add3A, %dma_start3A_15, %dma_start3A_16] : memref<32x4x128xi32, #tpu.memory_space<hbm>> -> memref<1x4x128xi32, #tpu.memory_space<hbm>>
    %dma_start3A_18 = tpu.memref_squeeze %dma_start3A_17 : memref<1x4x128xi32, #tpu.memory_space<hbm>> -> memref<4x128xi32, #tpu.memory_space<hbm>>
    %dma_start3A_19 = arith.constant 0 : i32
    %dma_start3A_20 = arith.constant 0 : i32
    %dma_start3A_21 = tpu.memref_slice %arg3[%add3A, %dma_start3A_19, %dma_start3A_20] : memref<32x4x128xi32, #tpu.memory_space<hbm>> -> memref<1x4x128xi32, #tpu.memory_space<hbm>>
    %dma_start3A_22 = tpu.memref_squeeze %dma_start3A_21 : memref<1x4x128xi32, #tpu.memory_space<hbm>> -> memref<4x128xi32, #tpu.memory_space<hbm>>
    tpu.enqueue_dma source(%dma_start3A_22 : memref<4x128xi32, #tpu.memory_space<hbm>>) target(%arg10 : memref<4x128xi32, #tpu.memory_space<vmem>>) target_semaphore(%arg23 : memref<!tpu.dma_semaphore, #tpu.memory_space<semaphore_mem>>)
    %dma_wait3A = arith.constant 0 : i32
    %dma_wait3A_23 = arith.constant 0 : i32
    %dma_wait3A_24 = tpu.memref_slice %arg2[%add3A, %dma_wait3A, %dma_wait3A_23] : memref<32x4x128xi32, #tpu.memory_space<hbm>> -> memref<1x4x128xi32, #tpu.memory_space<hbm>>
    %dma_wait3A_25 = tpu.memref_squeeze %dma_wait3A_24 : memref<1x4x128xi32, #tpu.memory_space<hbm>> -> memref<4x128xi32, #tpu.memory_space<hbm>>
    %dma_wait3A_26 = arith.constant 0 : i32
    %dma_wait3A_27 = arith.constant 0 : i32
    %dma_wait3A_28 = tpu.memref_slice %arg2[%add3A, %dma_wait3A_26, %dma_wait3A_27] : memref<32x4x128xi32, #tpu.memory_space<hbm>> -> memref<1x4x128xi32, #tpu.memory_space<hbm>>
    %dma_wait3A_29 = tpu.memref_squeeze %dma_wait3A_28 : memref<1x4x128xi32, #tpu.memory_space<hbm>> -> memref<4x128xi32, #tpu.memory_space<hbm>>
    tpu.wait_dma2 semaphore(%arg23 : memref<!tpu.dma_semaphore, #tpu.memory_space<semaphore_mem>>) src(%dma_wait3A_29 : memref<4x128xi32, #tpu.memory_space<hbm>>) dst(%arg9 : memref<4x128xi32, #tpu.memory_space<vmem>>)
    %dma_start3A_30 = arith.constant 0 : i32
    %dma_start3A_31 = arith.constant 0 : i32
    %dma_start3A_32 = tpu.memref_slice %arg9[%dma_start3A_30, %dma_start3A_31] : memref<4x128xi32, #tpu.memory_space<vmem>> -> memref<1x128xi32, #tpu.memory_space<vmem>>
    %dma_start3A_33 = tpu.memref_squeeze %dma_start3A_32 : memref<1x128xi32, #tpu.memory_space<vmem>> -> memref<128xi32, #tpu.memory_space<vmem>>
    %dma_start3A_34 = arith.constant 0 : i32
    %dma_start3A_35 = arith.constant 0 : i32
    %dma_start3A_36 = tpu.memref_slice %arg5[%dma_start3A_34, %dma_start3A_35] : memref<100000x128xf32, #tpu.memory_space<hbm>> -> memref<100000x128xf32, #tpu.memory_space<hbm>>
    tpu.enqueue_indirect_dma source(%dma_start3A_36 : memref<100000x128xf32, #tpu.memory_space<hbm>>) target(%arg12 : memref<128x128xf32, #tpu.memory_space<vmem>>) offsets(%dma_start3A_33 : memref<128xi32, #tpu.memory_space<vmem>>) semaphore(%arg22 : memref<!tpu.dma_semaphore, #tpu.memory_space<semaphore_mem>>)
    %dma_wait3A_37 = arith.constant 0 : i32
    %dma_wait3A_38 = arith.constant 0 : i32
    %dma_wait3A_39 = tpu.memref_slice %arg3[%add3A, %dma_wait3A_37, %dma_wait3A_38] : memref<32x4x128xi32, #tpu.memory_space<hbm>> -> memref<1x4x128xi32, #tpu.memory_space<hbm>>
    %dma_wait3A_40 = tpu.memref_squeeze %dma_wait3A_39 : memref<1x4x128xi32, #tpu.memory_space<hbm>> -> memref<4x128xi32, #tpu.memory_space<hbm>>
    %dma_wait3A_41 = arith.constant 0 : i32
    %dma_wait3A_42 = arith.constant 0 : i32
    %dma_wait3A_43 = tpu.memref_slice %arg3[%add3A, %dma_wait3A_41, %dma_wait3A_42] : memref<32x4x128xi32, #tpu.memory_space<hbm>> -> memref<1x4x128xi32, #tpu.memory_space<hbm>>
    %dma_wait3A_44 = tpu.memref_squeeze %dma_wait3A_43 : memref<1x4x128xi32, #tpu.memory_space<hbm>> -> memref<4x128xi32, #tpu.memory_space<hbm>>
    tpu.wait_dma2 semaphore(%arg23 : memref<!tpu.dma_semaphore, #tpu.memory_space<semaphore_mem>>) src(%dma_wait3A_44 : memref<4x128xi32, #tpu.memory_space<hbm>>) dst(%arg10 : memref<4x128xi32, #tpu.memory_space<vmem>>)
    %parallel_loop3A = arith.constant 0 : i32
    %parallel_loop3A_45 = arith.constant 8 : i32
    %parallel_loop3A_46 = arith.constant 1 : i32
    %parallel_loop3A_47 = arith.constant 0 : i32
    %parallel_loop3A_48 = arith.constant 0 : i32
    scf.for %parallel_loop3A_314 = %parallel_loop3A to %parallel_loop3A_45 step %parallel_loop3A_46  : i32 {
      %parallel_loop3A_315 = arith.constant 16 : i32
      %parallel_loop3A_316 = arith.muli %parallel_loop3A_314, %parallel_loop3A_315 : i32
      %parallel_loop3A_317 = arith.constant 0 : i32
      %parallel_loop3A_318 = tpu.memref_slice %arg10[%parallel_loop3A_47, %parallel_loop3A_317] : memref<4x128xi32, #tpu.memory_space<vmem>> -> memref<1x128xi32, #tpu.memory_space<vmem>>
      %parallel_loop3A_319 = tpu.memref_squeeze %parallel_loop3A_318 : memref<1x128xi32, #tpu.memory_space<vmem>> -> memref<128xi32, #tpu.memory_space<vmem>>
      %parallel_loop3A_320 = arith.index_cast %parallel_loop3A_316 : i32 to index
      %parallel_loop3A_321 = tpu.vector_load %parallel_loop3A_319[%parallel_loop3A_320] {strides = array<i32>} : memref<128xi32, #tpu.memory_space<vmem>>, vector<16xi32>,
      %parallel_loop3A_322 = arith.constant 4 : i32
      %parallel_loop3A_323 = vector.broadcast %parallel_loop3A_322 : i32 to vector<16xi32>
      %parallel_loop3A_324 = arith.shrui %parallel_loop3A_321, %parallel_loop3A_323 : vector<16xi32>
      %parallel_loop3A_325 = arith.constant 16 : i32
      %parallel_loop3A_326 = arith.muli %parallel_loop3A_314, %parallel_loop3A_325 : i32
      %parallel_loop3A_327 = arith.constant 0 : i32
      %parallel_loop3A_328 = tpu.memref_slice %arg11[%parallel_loop3A_48, %parallel_loop3A_327] : memref<4x128xi32, #tpu.memory_space<vmem>> -> memref<1x128xi32, #tpu.memory_space<vmem>>
      %parallel_loop3A_329 = tpu.memref_squeeze %parallel_loop3A_328 : memref<1x128xi32, #tpu.memory_space<vmem>> -> memref<128xi32, #tpu.memory_space<vmem>>
      %parallel_loop3A_330 = arith.index_cast %parallel_loop3A_326 : i32 to index
      %parallel_loop3A_331 = tpu.vector_load %parallel_loop3A_329[%parallel_loop3A_330] {strides = array<i32>} : memref<128xi32, #tpu.memory_space<vmem>>, vector<16xi32>,
      tpu.vector_store %parallel_loop3A_329[%parallel_loop3A_330], %parallel_loop3A_324 {strides = array<i32>} : memref<128xi32, #tpu.memory_space<vmem>>, vector<16xi32>,
    } {sc.loop_unroll_factor = 1 : i64, sc.parallel_access}
    %parallel_loop3A_49 = arith.constant 0 : i32
    %parallel_loop3A_50 = arith.constant 8 : i32
    %parallel_loop3A_51 = arith.constant 1 : i32
    %parallel_loop3A_52 = arith.constant 1 : i32
    %parallel_loop3A_53 = arith.constant 1 : i32
    scf.for %parallel_loop3A_314 = %parallel_loop3A_49 to %parallel_loop3A_50 step %parallel_loop3A_51  : i32 {
      %parallel_loop3A_315 = arith.constant 16 : i32
      %parallel_loop3A_316 = arith.muli %parallel_loop3A_314, %parallel_loop3A_315 : i32
      %parallel_loop3A_317 = arith.constant 0 : i32
      %parallel_loop3A_318 = tpu.memref_slice %arg10[%parallel_loop3A_52, %parallel_loop3A_317] : memref<4x128xi32, #tpu.memory_space<vmem>> -> memref<1x128xi32, #tpu.memory_space<vmem>>
      %parallel_loop3A_319 = tpu.memref_squeeze %parallel_loop3A_318 : memref<1x128xi32, #tpu.memory_space<vmem>> -> memref<128xi32, #tpu.memory_space<vmem>>
      %parallel_loop3A_320 = arith.index_cast %parallel_loop3A_316 : i32 to index
      %parallel_loop3A_321 = tpu.vector_load %parallel_loop3A_319[%parallel_loop3A_320] {strides = array<i32>} : memref<128xi32, #tpu.memory_space<vmem>>, vector<16xi32>,
      %parallel_loop3A_322 = arith.constant 4 : i32
      %parallel_loop3A_323 = vector.broadcast %parallel_loop3A_322 : i32 to vector<16xi32>
      %parallel_loop3A_324 = arith.shrui %parallel_loop3A_321, %parallel_loop3A_323 : vector<16xi32>
      %parallel_loop3A_325 = arith.constant 16 : i32
      %parallel_loop3A_326 = arith.muli %parallel_loop3A_314, %parallel_loop3A_325 : i32
      %parallel_loop3A_327 = arith.constant 0 : i32
      %parallel_loop3A_328 = tpu.memref_slice %arg11[%parallel_loop3A_53, %parallel_loop3A_327] : memref<4x128xi32, #tpu.memory_space<vmem>> -> memref<1x128xi32, #tpu.memory_space<vmem>>
      %parallel_loop3A_329 = tpu.memref_squeeze %parallel_loop3A_328 : memref<1x128xi32, #tpu.memory_space<vmem>> -> memref<128xi32, #tpu.memory_space<vmem>>
      %parallel_loop3A_330 = arith.index_cast %parallel_loop3A_326 : i32 to index
      %parallel_loop3A_331 = tpu.vector_load %parallel_loop3A_329[%parallel_loop3A_330] {strides = array<i32>} : memref<128xi32, #tpu.memory_space<vmem>>, vector<16xi32>,
      tpu.vector_store %parallel_loop3A_329[%parallel_loop3A_330], %parallel_loop3A_324 {strides = array<i32>} : memref<128xi32, #tpu.memory_space<vmem>>, vector<16xi32>,
    } {sc.loop_unroll_factor = 1 : i64, sc.parallel_access}
    %parallel_loop3A_54 = arith.constant 0 : i32
    %parallel_loop3A_55 = arith.constant 8 : i32
    %parallel_loop3A_56 = arith.constant 1 : i32
    %parallel_loop3A_57 = arith.constant 2 : i32
    %parallel_loop3A_58 = arith.constant 2 : i32
    scf.for %parallel_loop3A_314 = %parallel_loop3A_54 to %parallel_loop3A_55 step %parallel_loop3A_56  : i32 {
      %parallel_loop3A_315 = arith.constant 16 : i32
      %parallel_loop3A_316 = arith.muli %parallel_loop3A_314, %parallel_loop3A_315 : i32
      %parallel_loop3A_317 = arith.constant 0 : i32
      %parallel_loop3A_318 = tpu.memref_slice %arg10[%parallel_loop3A_57, %parallel_loop3A_317] : memref<4x128xi32, #tpu.memory_space<vmem>> -> memref<1x128xi32, #tpu.memory_space<vmem>>
      %parallel_loop3A_319 = tpu.memref_squeeze %parallel_loop3A_318 : memref<1x128xi32, #tpu.memory_space<vmem>> -> memref<128xi32, #tpu.memory_space<vmem>>
      %parallel_loop3A_320 = arith.index_cast %parallel_loop3A_316 : i32 to index
      %parallel_loop3A_321 = tpu.vector_load %parallel_loop3A_319[%parallel_loop3A_320] {strides = array<i32>} : memref<128xi32, #tpu.memory_space<vmem>>, vector<16xi32>,
      %parallel_loop3A_322 = arith.constant 4 : i32
      %parallel_loop3A_323 = vector.broadcast %parallel_loop3A_322 : i32 to vector<16xi32>
      %parallel_loop3A_324 = arith.shrui %parallel_loop3A_321, %parallel_loop3A_323 : vector<16xi32>
      %parallel_loop3A_325 = arith.constant 16 : i32
      %parallel_loop3A_326 = arith.muli %parallel_loop3A_314, %parallel_loop3A_325 : i32
      %parallel_loop3A_327 = arith.constant 0 : i32
      %parallel_loop3A_328 = tpu.memref_slice %arg11[%parallel_loop3A_58, %parallel_loop3A_327] : memref<4x128xi32, #tpu.memory_space<vmem>> -> memref<1x128xi32, #tpu.memory_space<vmem>>
      %parallel_loop3A_329 = tpu.memref_squeeze %parallel_loop3A_328 : memref<1x128xi32, #tpu.memory_space<vmem>> -> memref<128xi32, #tpu.memory_space<vmem>>
      %parallel_loop3A_330 = arith.index_cast %parallel_loop3A_326 : i32 to index
      %parallel_loop3A_331 = tpu.vector_load %parallel_loop3A_329[%parallel_loop3A_330] {strides = array<i32>} : memref<128xi32, #tpu.memory_space<vmem>>, vector<16xi32>,
      tpu.vector_store %parallel_loop3A_329[%parallel_loop3A_330], %parallel_loop3A_324 {strides = array<i32>} : memref<128xi32, #tpu.memory_space<vmem>>, vector<16xi32>,
    } {sc.loop_unroll_factor = 1 : i64, sc.parallel_access}
    %parallel_loop3A_59 = arith.constant 0 : i32
    %parallel_loop3A_60 = arith.constant 8 : i32
    %parallel_loop3A_61 = arith.constant 1 : i32
    %parallel_loop3A_62 = arith.constant 3 : i32
    %parallel_loop3A_63 = arith.constant 3 : i32
    scf.for %parallel_loop3A_314 = %parallel_loop3A_59 to %parallel_loop3A_60 step %parallel_loop3A_61  : i32 {
      %parallel_loop3A_315 = arith.constant 16 : i32
      %parallel_loop3A_316 = arith.muli %parallel_loop3A_314, %parallel_loop3A_315 : i32
      %parallel_loop3A_317 = arith.constant 0 : i32
      %parallel_loop3A_318 = tpu.memref_slice %arg10[%parallel_loop3A_62, %parallel_loop3A_317] : memref<4x128xi32, #tpu.memory_space<vmem>> -> memref<1x128xi32, #tpu.memory_space<vmem>>
      %parallel_loop3A_319 = tpu.memref_squeeze %parallel_loop3A_318 : memref<1x128xi32, #tpu.memory_space<vmem>> -> memref<128xi32, #tpu.memory_space<vmem>>
      %parallel_loop3A_320 = arith.index_cast %parallel_loop3A_316 : i32 to index
      %parallel_loop3A_321 = tpu.vector_load %parallel_loop3A_319[%parallel_loop3A_320] {strides = array<i32>} : memref<128xi32, #tpu.memory_space<vmem>>, vector<16xi32>,
      %parallel_loop3A_322 = arith.constant 4 : i32
      %parallel_loop3A_323 = vector.broadcast %parallel_loop3A_322 : i32 to vector<16xi32>
      %parallel_loop3A_324 = arith.shrui %parallel_loop3A_321, %parallel_loop3A_323 : vector<16xi32>
      %parallel_loop3A_325 = arith.constant 16 : i32
      %parallel_loop3A_326 = arith.muli %parallel_loop3A_314, %parallel_loop3A_325 : i32
      %parallel_loop3A_327 = arith.constant 0 : i32
      %parallel_loop3A_328 = tpu.memref_slice %arg11[%parallel_loop3A_63, %parallel_loop3A_327] : memref<4x128xi32, #tpu.memory_space<vmem>> -> memref<1x128xi32, #tpu.memory_space<vmem>>
      %parallel_loop3A_329 = tpu.memref_squeeze %parallel_loop3A_328 : memref<1x128xi32, #tpu.memory_space<vmem>> -> memref<128xi32, #tpu.memory_space<vmem>>
      %parallel_loop3A_330 = arith.index_cast %parallel_loop3A_326 : i32 to index
      %parallel_loop3A_331 = tpu.vector_load %parallel_loop3A_329[%parallel_loop3A_330] {strides = array<i32>} : memref<128xi32, #tpu.memory_space<vmem>>, vector<16xi32>,
      tpu.vector_store %parallel_loop3A_329[%parallel_loop3A_330], %parallel_loop3A_324 {strides = array<i32>} : memref<128xi32, #tpu.memory_space<vmem>>, vector<16xi32>,
    } {sc.loop_unroll_factor = 1 : i64, sc.parallel_access}
    %dma_start3A_64 = arith.constant 0 : i32
    %dma_start3A_65 = arith.constant 0 : i32
    %dma_start3A_66 = tpu.memref_slice %arg11[%dma_start3A_64, %dma_start3A_65] : memref<4x128xi32, #tpu.memory_space<vmem>> -> memref<1x128xi32, #tpu.memory_space<vmem>>
    %dma_start3A_67 = tpu.memref_squeeze %dma_start3A_66 : memref<1x128xi32, #tpu.memory_space<vmem>> -> memref<128xi32, #tpu.memory_space<vmem>>
    %dma_start3A_68 = arith.constant 0 : i32
    %dma_start3A_69 = arith.constant 0 : i32
    %dma_start3A_70 = tpu.memref_slice %arg6[%dma_start3A_68, %dma_start3A_69] : memref<6250x16xf32, #tpu.memory_space<hbm>> -> memref<6250x16xf32, #tpu.memory_space<hbm>>
    tpu.enqueue_indirect_dma source(%dma_start3A_70 : memref<6250x16xf32, #tpu.memory_space<hbm>>) target(%arg14 : memref<128x16xf32, #tpu.memory_space<vmem>>) offsets(%dma_start3A_67 : memref<128xi32, #tpu.memory_space<vmem>>) semaphore(%arg22 : memref<!tpu.dma_semaphore, #tpu.memory_space<semaphore_mem>>)
    %dma_start3A_71 = arith.constant 0 : i32
    %dma_start3A_72 = arith.constant 0 : i32
    %dma_start3A_73 = tpu.memref_slice %arg11[%dma_start3A_71, %dma_start3A_72] : memref<4x128xi32, #tpu.memory_space<vmem>> -> memref<1x128xi32, #tpu.memory_space<vmem>>
    %dma_start3A_74 = tpu.memref_squeeze %dma_start3A_73 : memref<1x128xi32, #tpu.memory_space<vmem>> -> memref<128xi32, #tpu.memory_space<vmem>>
    %dma_start3A_75 = arith.constant 0 : i32
    %dma_start3A_76 = arith.constant 0 : i32
    %dma_start3A_77 = tpu.memref_slice %arg7[%dma_start3A_75, %dma_start3A_76] : memref<6250x16xf32, #tpu.memory_space<hbm>> -> memref<6250x16xf32, #tpu.memory_space<hbm>>
    tpu.enqueue_indirect_dma source(%dma_start3A_77 : memref<6250x16xf32, #tpu.memory_space<hbm>>) target(%arg15 : memref<128x16xf32, #tpu.memory_space<vmem>>) offsets(%dma_start3A_74 : memref<128xi32, #tpu.memory_space<vmem>>) semaphore(%arg22 : memref<!tpu.dma_semaphore, #tpu.memory_space<semaphore_mem>>)
    %dma_wait3A_78 = arith.constant 0 : i32
    %dma_wait3A_79 = tpu.memref_slice %arg4[%mul3A_2, %dma_wait3A_78] : memref<16384x128xf32, #tpu.memory_space<hbm>> -> memref<128x128xf32, #tpu.memory_space<hbm>>
    %dma_wait3A_80 = arith.constant 0 : i32
    %dma_wait3A_81 = tpu.memref_slice %arg4[%mul3A_2, %dma_wait3A_80] : memref<16384x128xf32, #tpu.memory_space<hbm>> -> memref<128x128xf32, #tpu.memory_space<hbm>>
    tpu.wait_dma2 semaphore(%arg22 : memref<!tpu.dma_semaphore, #tpu.memory_space<semaphore_mem>>) src(%dma_wait3A_81 : memref<128x128xf32, #tpu.memory_space<hbm>>) dst(%arg13 : memref<128x128xf32, #tpu.memory_space<vmem>>)
    %dma_wait3A_82 = arith.constant 0 : i32
    %dma_wait3A_83 = arith.constant 0 : i32
    %dma_wait3A_84 = tpu.memref_slice %arg9[%dma_wait3A_82, %dma_wait3A_83] : memref<4x128xi32, #tpu.memory_space<vmem>> -> memref<1x128xi32, #tpu.memory_space<vmem>>
    %dma_wait3A_85 = tpu.memref_squeeze %dma_wait3A_84 : memref<1x128xi32, #tpu.memory_space<vmem>> -> memref<128xi32, #tpu.memory_space<vmem>>
    %dma_wait3A_86 = arith.constant 0 : i32
    %dma_wait3A_87 = arith.constant 0 : i32
    %dma_wait3A_88 = tpu.memref_slice %arg5[%dma_wait3A_86, %dma_wait3A_87] : memref<100000x128xf32, #tpu.memory_space<hbm>> -> memref<100000x128xf32, #tpu.memory_space<hbm>>
    tpu.wait_indirect_dma semaphore(%arg22 : memref<!tpu.dma_semaphore, #tpu.memory_space<semaphore_mem>>) src(%dma_wait3A_88 : memref<100000x128xf32, #tpu.memory_space<hbm>>) dst(%arg12 : memref<128x128xf32, #tpu.memory_space<vmem>>)
    %dma_wait3A_89 = arith.constant 0 : i32
    %dma_wait3A_90 = arith.constant 0 : i32
    %dma_wait3A_91 = tpu.memref_slice %arg11[%dma_wait3A_89, %dma_wait3A_90] : memref<4x128xi32, #tpu.memory_space<vmem>> -> memref<1x128xi32, #tpu.memory_space<vmem>>
    %dma_wait3A_92 = tpu.memref_squeeze %dma_wait3A_91 : memref<1x128xi32, #tpu.memory_space<vmem>> -> memref<128xi32, #tpu.memory_space<vmem>>
    %dma_wait3A_93 = arith.constant 0 : i32
    %dma_wait3A_94 = arith.constant 0 : i32
    %dma_wait3A_95 = tpu.memref_slice %arg6[%dma_wait3A_93, %dma_wait3A_94] : memref<6250x16xf32, #tpu.memory_space<hbm>> -> memref<6250x16xf32, #tpu.memory_space<hbm>>
    tpu.wait_indirect_dma semaphore(%arg22 : memref<!tpu.dma_semaphore, #tpu.memory_space<semaphore_mem>>) src(%dma_wait3A_95 : memref<6250x16xf32, #tpu.memory_space<hbm>>) dst(%arg14 : memref<128x16xf32, #tpu.memory_space<vmem>>)
    %dma_wait3A_96 = arith.constant 0 : i32
    %dma_wait3A_97 = arith.constant 0 : i32
    %dma_wait3A_98 = tpu.memref_slice %arg11[%dma_wait3A_96, %dma_wait3A_97] : memref<4x128xi32, #tpu.memory_space<vmem>> -> memref<1x128xi32, #tpu.memory_space<vmem>>
    %dma_wait3A_99 = tpu.memref_squeeze %dma_wait3A_98 : memref<1x128xi32, #tpu.memory_space<vmem>> -> memref<128xi32, #tpu.memory_space<vmem>>
    %dma_wait3A_100 = arith.constant 0 : i32
    %dma_wait3A_101 = arith.constant 0 : i32
    %dma_wait3A_102 = tpu.memref_slice %arg7[%dma_wait3A_100, %dma_wait3A_101] : memref<6250x16xf32, #tpu.memory_space<hbm>> -> memref<6250x16xf32, #tpu.memory_space<hbm>>
    tpu.wait_indirect_dma semaphore(%arg22 : memref<!tpu.dma_semaphore, #tpu.memory_space<semaphore_mem>>) src(%dma_wait3A_102 : memref<6250x16xf32, #tpu.memory_space<hbm>>) dst(%arg15 : memref<128x16xf32, #tpu.memory_space<vmem>>)
    %dma_start3A_103 = arith.constant 1 : i32
    %dma_start3A_104 = arith.constant 0 : i32
    %dma_start3A_105 = tpu.memref_slice %arg9[%dma_start3A_103, %dma_start3A_104] : memref<4x128xi32, #tpu.memory_space<vmem>> -> memref<1x128xi32, #tpu.memory_space<vmem>>
    %dma_start3A_106 = tpu.memref_squeeze %dma_start3A_105 : memref<1x128xi32, #tpu.memory_space<vmem>> -> memref<128xi32, #tpu.memory_space<vmem>>
    %dma_start3A_107 = arith.constant 0 : i32
    %dma_start3A_108 = arith.constant 0 : i32
    %dma_start3A_109 = tpu.memref_slice %arg5[%dma_start3A_107, %dma_start3A_108] : memref<100000x128xf32, #tpu.memory_space<hbm>> -> memref<100000x128xf32, #tpu.memory_space<hbm>>
    tpu.enqueue_indirect_dma source(%dma_start3A_109 : memref<100000x128xf32, #tpu.memory_space<hbm>>) target(%arg17 : memref<128x128xf32, #tpu.memory_space<vmem>>) offsets(%dma_start3A_106 : memref<128xi32, #tpu.memory_space<vmem>>) semaphore(%arg23 : memref<!tpu.dma_semaphore, #tpu.memory_space<semaphore_mem>>)
    %add3A_110 = arith.constant 128 : i32
    %add3A_111 = arith.addi %mul3A_2, %add3A_110 : i32
    %dma_start3A_112 = arith.constant 0 : i32
    %dma_start3A_113 = tpu.memref_slice %arg4[%add3A_111, %dma_start3A_112] : memref<16384x128xf32, #tpu.memory_space<hbm>> -> memref<128x128xf32, #tpu.memory_space<hbm>>
    %dma_start3A_114 = arith.constant 0 : i32
    %dma_start3A_115 = tpu.memref_slice %arg4[%add3A_111, %dma_start3A_114] : memref<16384x128xf32, #tpu.memory_space<hbm>> -> memref<128x128xf32, #tpu.memory_space<hbm>>
    tpu.enqueue_dma source(%dma_start3A_115 : memref<128x128xf32, #tpu.memory_space<hbm>>) target(%arg18 : memref<128x128xf32, #tpu.memory_space<vmem>>) target_semaphore(%arg23 : memref<!tpu.dma_semaphore, #tpu.memory_space<semaphore_mem>>)
    %dma_start3A_116 = arith.constant 1 : i32
    %dma_start3A_117 = arith.constant 0 : i32
    %dma_start3A_118 = tpu.memref_slice %arg11[%dma_start3A_116, %dma_start3A_117] : memref<4x128xi32, #tpu.memory_space<vmem>> -> memref<1x128xi32, #tpu.memory_space<vmem>>
    %dma_start3A_119 = tpu.memref_squeeze %dma_start3A_118 : memref<1x128xi32, #tpu.memory_space<vmem>> -> memref<128xi32, #tpu.memory_space<vmem>>
    %dma_start3A_120 = arith.constant 0 : i32
    %dma_start3A_121 = arith.constant 0 : i32
    %dma_start3A_122 = tpu.memref_slice %arg6[%dma_start3A_120, %dma_start3A_121] : memref<6250x16xf32, #tpu.memory_space<hbm>> -> memref<6250x16xf32, #tpu.memory_space<hbm>>
    tpu.enqueue_indirect_dma source(%dma_start3A_122 : memref<6250x16xf32, #tpu.memory_space<hbm>>) target(%arg19 : memref<128x16xf32, #tpu.memory_space<vmem>>) offsets(%dma_start3A_119 : memref<128xi32, #tpu.memory_space<vmem>>) semaphore(%arg23 : memref<!tpu.dma_semaphore, #tpu.memory_space<semaphore_mem>>)
    %dma_start3A_123 = arith.constant 1 : i32
    %dma_start3A_124 = arith.constant 0 : i32
    %dma_start3A_125 = tpu.memref_slice %arg11[%dma_start3A_123, %dma_start3A_124] : memref<4x128xi32, #tpu.memory_space<vmem>> -> memref<1x128xi32, #tpu.memory_space<vmem>>
    %dma_start3A_126 = tpu.memref_squeeze %dma_start3A_125 : memref<1x128xi32, #tpu.memory_space<vmem>> -> memref<128xi32, #tpu.memory_space<vmem>>
    %dma_start3A_127 = arith.constant 0 : i32
    %dma_start3A_128 = arith.constant 0 : i32
    %dma_start3A_129 = tpu.memref_slice %arg7[%dma_start3A_127, %dma_start3A_128] : memref<6250x16xf32, #tpu.memory_space<hbm>> -> memref<6250x16xf32, #tpu.memory_space<hbm>>
    tpu.enqueue_indirect_dma source(%dma_start3A_129 : memref<6250x16xf32, #tpu.memory_space<hbm>>) target(%arg20 : memref<128x16xf32, #tpu.memory_space<vmem>>) offsets(%dma_start3A_126 : memref<128xi32, #tpu.memory_space<vmem>>) semaphore(%arg23 : memref<!tpu.dma_semaphore, #tpu.memory_space<semaphore_mem>>)
    %scan3A = arith.constant 0 : i32
    %scan3A_130 = arith.constant 0 : i32
    %scan3A_131 = arith.constant 0 : i32
    %scan3A_132 = arith.constant 8 : i32
    %scan3A_133 = arith.addi %scan3A_131, %scan3A_132 : i32
    %scan3A_134 = arith.constant 1 : i32
    %scan3A_135 = scf.for %scan3A_314 = %scan3A_131 to %scan3A_133 step %scan3A_134 iter_args(%scan3A_315 = %scan3A_130) -> (i32)  : i32 {
      %mul3A_316 = arith.constant 16 : i32
      %mul3A_317 = arith.muli %scan3A_314, %mul3A_316 : i32
      %add3A_318 = vector.broadcast %mul3A_317 : i32 to vector<16xi32>
      %add3A_319 = arith.addi %iota3A, %add3A_318 : vector<16xi32>
      %parallel_loop3A_320 = arith.constant 0 : i32
      %parallel_loop3A_321 = arith.constant 128 : i32
      %parallel_loop3A_322 = arith.constant 2 : i32
      %parallel_loop3A_323:5 = scf.for %parallel_loop3A_382 = %parallel_loop3A_320 to %parallel_loop3A_321 step %parallel_loop3A_322 iter_args(%parallel_loop3A_383 = %broadcast_in_dim3A_3, %parallel_loop3A_384 = %broadcast_in_dim3A_3, %parallel_loop3A_385 = %broadcast_in_dim3A_3, %parallel_loop3A_386 = %broadcast_in_dim3A_3, %parallel_loop3A_387 = %iota3A) -> (vector<16xf32>, vector<16xf32>, vector<16xf32>, vector<16xf32>, vector<16xi32>)  : i32 {
        %parallel_loop3A_388 = arith.constant 1 : i32
        %parallel_loop3A_389 = vector.broadcast %parallel_loop3A_388 : i32 to vector<16xi32>
        %parallel_loop3A_390 = arith.addi %parallel_loop3A_387, %parallel_loop3A_389 : vector<16xi32>
        %parallel_loop3A_391 = arith.constant 127 : i32
        %parallel_loop3A_392 = vector.broadcast %parallel_loop3A_391 : i32 to vector<16xi32>
        %parallel_loop3A_393 = arith.andi %parallel_loop3A_390, %parallel_loop3A_392 : vector<16xi32>
        %parallel_loop3A_394 = tpu.vector_load_idx %arg12[%add3A_319, %parallel_loop3A_387] : memref<128x128xf32, #tpu.memory_space<vmem>>[vector<16xi32>, vector<16xi32>], vector<16xf32>,
        %parallel_loop3A_395 = tpu.vector_load_idx %arg13[%add3A_319, %parallel_loop3A_387] : memref<128x128xf32, #tpu.memory_space<vmem>>[vector<16xi32>, vector<16xi32>], vector<16xf32>,
        %parallel_loop3A_396 = tpu.vector_load_idx %arg12[%add3A_319, %parallel_loop3A_393] : memref<128x128xf32, #tpu.memory_space<vmem>>[vector<16xi32>, vector<16xi32>], vector<16xf32>,
        %parallel_loop3A_397 = tpu.vector_load_idx %arg13[%add3A_319, %parallel_loop3A_393] : memref<128x128xf32, #tpu.memory_space<vmem>>[vector<16xi32>, vector<16xi32>], vector<16xf32>,
        %parallel_loop3A_398 = math.exp %parallel_loop3A_394 : vector<16xf32>
        %parallel_loop3A_399 = arith.constant 1.000000e+00 : f32
        %parallel_loop3A_400 = vector.broadcast %parallel_loop3A_399 : f32 to vector<16xf32>
        %parallel_loop3A_401 = arith.addf %parallel_loop3A_400, %parallel_loop3A_398 : vector<16xf32>
        %parallel_loop3A_402 = arith.divf %parallel_loop3A_395, %parallel_loop3A_401 : vector<16xf32>
        %parallel_loop3A_403 = math.exp %parallel_loop3A_396 : vector<16xf32>
        %parallel_loop3A_404 = arith.constant 1.000000e+00 : f32
        %parallel_loop3A_405 = vector.broadcast %parallel_loop3A_404 : f32 to vector<16xf32>
        %parallel_loop3A_406 = arith.addf %parallel_loop3A_405, %parallel_loop3A_403 : vector<16xf32>
        %parallel_loop3A_407 = arith.divf %parallel_loop3A_397, %parallel_loop3A_406 : vector<16xf32>
        %parallel_loop3A_408 = arith.addf %parallel_loop3A_383, %parallel_loop3A_402 : vector<16xf32>
        %parallel_loop3A_409 = arith.addf %parallel_loop3A_384, %parallel_loop3A_395 : vector<16xf32>
        %parallel_loop3A_410 = arith.addf %parallel_loop3A_385, %parallel_loop3A_407 : vector<16xf32>
        %parallel_loop3A_411 = arith.addf %parallel_loop3A_386, %parallel_loop3A_397 : vector<16xf32>
        %parallel_loop3A_412 = arith.constant 2 : i32
        %parallel_loop3A_413 = vector.broadcast %parallel_loop3A_412 : i32 to vector<16xi32>
        %parallel_loop3A_414 = arith.addi %parallel_loop3A_387, %parallel_loop3A_413 : vector<16xi32>
        %parallel_loop3A_415 = arith.constant 127 : i32
        %parallel_loop3A_416 = vector.broadcast %parallel_loop3A_415 : i32 to vector<16xi32>
        %parallel_loop3A_417 = arith.andi %parallel_loop3A_414, %parallel_loop3A_416 : vector<16xi32>
        scf.yield %parallel_loop3A_408, %parallel_loop3A_409, %parallel_loop3A_410, %parallel_loop3A_411, %parallel_loop3A_417 : vector<16xf32>, vector<16xf32>, vector<16xf32>, vector<16xf32>, vector<16xi32>
      } {sc.loop_unroll_factor = 8 : i64, sc.parallel_access}
      %add3A_324 = arith.addf %parallel_loop3A_323#1, %parallel_loop3A_323#3 : vector<16xf32>
      %mul3A_325 = arith.constant 5.000000e-01 : f32
      %mul3A_326 = vector.broadcast %mul3A_325 : f32 to vector<16xf32>
      %mul3A_327 = arith.mulf %mul3A_326, %add3A_324 : vector<16xf32>
      %add3A_328 = arith.addf %parallel_loop3A_323#0, %parallel_loop3A_323#2 : vector<16xf32>
      %sub3A = arith.subf %mul3A_327, %add3A_328 : vector<16xf32>
      %mul3A_329 = arith.constant 2.000000e-02 : f32
      %mul3A_330 = vector.broadcast %mul3A_329 : f32 to vector<16xf32>
      %mul3A_331 = arith.mulf %sub3A, %mul3A_330 : vector<16xf32>
      %exp3A = math.exp %mul3A_331 : vector<16xf32>
      %add3A_332 = arith.constant 1.000000e+00 : f32
      %add3A_333 = vector.broadcast %add3A_332 : f32 to vector<16xf32>
      %add3A_334 = arith.addf %add3A_333, %exp3A : vector<16xf32>
      %div3A = arith.constant 1.000000e+00 : f32
      %div3A_335 = vector.broadcast %div3A : f32 to vector<16xf32>
      %div3A_336 = arith.divf %div3A_335, %add3A_334 : vector<16xf32>
      %sub3A_337 = arith.constant 1.000000e+00 : f32
      %sub3A_338 = vector.broadcast %sub3A_337 : f32 to vector<16xf32>
      %sub3A_339 = arith.subf %sub3A_338, %div3A_336 : vector<16xf32>
      %mul3A_340 = arith.constant 16 : i32
      %mul3A_341 = arith.muli %scan3A_314, %mul3A_340 : i32
      %get3A = arith.constant 0 : i32
      %get3A_342 = tpu.memref_slice %arg10[%scan3A, %get3A] : memref<4x128xi32, #tpu.memory_space<vmem>> -> memref<1x128xi32, #tpu.memory_space<vmem>>
      %get3A_343 = tpu.memref_squeeze %get3A_342 : memref<1x128xi32, #tpu.memory_space<vmem>> -> memref<128xi32, #tpu.memory_space<vmem>>
      %get3A_344 = arith.index_cast %mul3A_341 : i32 to index
      %get3A_345 = tpu.vector_load %get3A_343[%get3A_344] {strides = array<i32>} : memref<128xi32, #tpu.memory_space<vmem>>, vector<16xi32>,
      %and3A = arith.constant 15 : i32
      %and3A_346 = vector.broadcast %and3A : i32 to vector<16xi32>
      %and3A_347 = arith.andi %get3A_345, %and3A_346 : vector<16xi32>
      %gather3A = tpu.vector_load_idx %arg14[%add3A_319, %and3A_347] : memref<128x16xf32, #tpu.memory_space<vmem>>[vector<16xi32>, vector<16xi32>], vector<16xf32>,
      %gather3A_348 = tpu.vector_load_idx %arg15[%add3A_319, %and3A_347] : memref<128x16xf32, #tpu.memory_space<vmem>>[vector<16xi32>, vector<16xi32>], vector<16xf32>,
      %exp3A_349 = math.exp %gather3A : vector<16xf32>
      %add3A_350 = arith.constant 1.000000e+00 : f32
      %add3A_351 = vector.broadcast %add3A_350 : f32 to vector<16xf32>
      %add3A_352 = arith.addf %add3A_351, %exp3A_349 : vector<16xf32>
      %div3A_353 = arith.constant 4.000000e-01 : f32
      %div3A_354 = vector.broadcast %div3A_353 : f32 to vector<16xf32>
      %div3A_355 = arith.divf %div3A_354, %add3A_352 : vector<16xf32>
      %sub3A_356 = arith.constant 4.000000e-01 : f32
      %sub3A_357 = vector.broadcast %sub3A_356 : f32 to vector<16xf32>
      %sub3A_358 = arith.subf %sub3A_357, %div3A_355 : vector<16xf32>
      %exp3A_359 = math.exp %gather3A_348 : vector<16xf32>
      %add3A_360 = arith.constant 1.000000e+00 : f32
      %add3A_361 = vector.broadcast %add3A_360 : f32 to vector<16xf32>
      %add3A_362 = arith.addf %add3A_361, %exp3A_359 : vector<16xf32>
      %div3A_363 = arith.constant 4.000000e-01 : f32
      %div3A_364 = vector.broadcast %div3A_363 : f32 to vector<16xf32>
      %div3A_365 = arith.divf %div3A_364, %add3A_362 : vector<16xf32>
      %sub3A_366 = arith.constant 4.000000e-01 : f32
      %sub3A_367 = vector.broadcast %sub3A_366 : f32 to vector<16xf32>
      %sub3A_368 = arith.subf %sub3A_367, %div3A_365 : vector<16xf32>
      %sub3A_369 = arith.constant 1.000000e+00 : f32
      %sub3A_370 = vector.broadcast %sub3A_369 : f32 to vector<16xf32>
      %sub3A_371 = arith.subf %sub3A_370, %sub3A_358 : vector<16xf32>
      %mul3A_372 = arith.mulf %sub3A_371, %sub3A_339 : vector<16xf32>
      %sub3A_373 = arith.constant 1.000000e+00 : f32
      %sub3A_374 = vector.broadcast %sub3A_373 : f32 to vector<16xf32>
      %sub3A_375 = arith.subf %sub3A_374, %sub3A_339 : vector<16xf32>
      %mul3A_376 = arith.mulf %sub3A_368, %sub3A_375 : vector<16xf32>
      %add3A_377 = arith.addf %mul3A_372, %mul3A_376 : vector<16xf32>
      %mul3A_378 = arith.constant 16 : i32
      %mul3A_379 = arith.muli %scan3A_314, %mul3A_378 : i32
      %swap3A = arith.index_cast %mul3A_379 : i32 to index
      %swap3A_380 = tpu.vector_load %arg16[%swap3A] {strides = array<i32>} : memref<128xf32, #tpu.memory_space<vmem>>, vector<16xf32>,
      tpu.vector_store %arg16[%swap3A], %add3A_377 {strides = array<i32>} : memref<128xf32, #tpu.memory_space<vmem>>, vector<16xf32>,
      %scan3A_381 = arith.constant 0 : i32
      scf.yield %scan3A_381 : i32
    }
    %scan3A_136 = arith.constant 8 : i32
    %add3A_137 = arith.constant 0 : i32
    %add3A_138 = arith.addi %mul3A_2, %add3A_137 : i32
    %dma_start3A_139 = tpu.memref_slice %arg8[%add3A_138] : memref<16384xf32, #tpu.memory_space<hbm>> -> memref<128xf32, #tpu.memory_space<hbm>>
    %dma_start3A_140 = tpu.memref_slice %arg8[%add3A_138] : memref<16384xf32, #tpu.memory_space<hbm>> -> memref<128xf32, #tpu.memory_space<hbm>>
    tpu.enqueue_dma source(%arg16 : memref<128xf32, #tpu.memory_space<vmem>>) target(%dma_start3A_140 : memref<128xf32, #tpu.memory_space<hbm>>) target_semaphore(%arg24 : memref<!tpu.dma_semaphore, #tpu.memory_space<semaphore_mem>>)
    %dma_wait3A_141 = arith.constant 1 : i32
    %dma_wait3A_142 = arith.constant 0 : i32
    %dma_wait3A_143 = tpu.memref_slice %arg9[%dma_wait3A_141, %dma_wait3A_142] : memref<4x128xi32, #tpu.memory_space<vmem>> -> memref<1x128xi32, #tpu.memory_space<vmem>>
    %dma_wait3A_144 = tpu.memref_squeeze %dma_wait3A_143 : memref<1x128xi32, #tpu.memory_space<vmem>> -> memref<128xi32, #tpu.memory_space<vmem>>
    %dma_wait3A_145 = arith.constant 0 : i32
    %dma_wait3A_146 = arith.constant 0 : i32
    %dma_wait3A_147 = tpu.memref_slice %arg5[%dma_wait3A_145, %dma_wait3A_146] : memref<100000x128xf32, #tpu.memory_space<hbm>> -> memref<100000x128xf32, #tpu.memory_space<hbm>>
    tpu.wait_indirect_dma semaphore(%arg23 : memref<!tpu.dma_semaphore, #tpu.memory_space<semaphore_mem>>) src(%dma_wait3A_147 : memref<100000x128xf32, #tpu.memory_space<hbm>>) dst(%arg17 : memref<128x128xf32, #tpu.memory_space<vmem>>)
    %dma_wait3A_148 = arith.constant 0 : i32
    %dma_wait3A_149 = tpu.memref_slice %arg4[%add3A_111, %dma_wait3A_148] : memref<16384x128xf32, #tpu.memory_space<hbm>> -> memref<128x128xf32, #tpu.memory_space<hbm>>
    %dma_wait3A_150 = arith.constant 0 : i32
    %dma_wait3A_151 = tpu.memref_slice %arg4[%add3A_111, %dma_wait3A_150] : memref<16384x128xf32, #tpu.memory_space<hbm>> -> memref<128x128xf32, #tpu.memory_space<hbm>>
    tpu.wait_dma2 semaphore(%arg23 : memref<!tpu.dma_semaphore, #tpu.memory_space<semaphore_mem>>) src(%dma_wait3A_151 : memref<128x128xf32, #tpu.memory_space<hbm>>) dst(%arg18 : memref<128x128xf32, #tpu.memory_space<vmem>>)
    %dma_wait3A_152 = arith.constant 1 : i32
    %dma_wait3A_153 = arith.constant 0 : i32
    %dma_wait3A_154 = tpu.memref_slice %arg11[%dma_wait3A_152, %dma_wait3A_153] : memref<4x128xi32, #tpu.memory_space<vmem>> -> memref<1x128xi32, #tpu.memory_space<vmem>>
    %dma_wait3A_155 = tpu.memref_squeeze %dma_wait3A_154 : memref<1x128xi32, #tpu.memory_space<vmem>> -> memref<128xi32, #tpu.memory_space<vmem>>
    %dma_wait3A_156 = arith.constant 0 : i32
    %dma_wait3A_157 = arith.constant 0 : i32
    %dma_wait3A_158 = tpu.memref_slice %arg6[%dma_wait3A_156, %dma_wait3A_157] : memref<6250x16xf32, #tpu.memory_space<hbm>> -> memref<6250x16xf32, #tpu.memory_space<hbm>>
    tpu.wait_indirect_dma semaphore(%arg23 : memref<!tpu.dma_semaphore, #tpu.memory_space<semaphore_mem>>) src(%dma_wait3A_158 : memref<6250x16xf32, #tpu.memory_space<hbm>>) dst(%arg19 : memref<128x16xf32, #tpu.memory_space<vmem>>)
    %dma_wait3A_159 = arith.constant 1 : i32
    %dma_wait3A_160 = arith.constant 0 : i32
    %dma_wait3A_161 = tpu.memref_slice %arg11[%dma_wait3A_159, %dma_wait3A_160] : memref<4x128xi32, #tpu.memory_space<vmem>> -> memref<1x128xi32, #tpu.memory_space<vmem>>
    %dma_wait3A_162 = tpu.memref_squeeze %dma_wait3A_161 : memref<1x128xi32, #tpu.memory_space<vmem>> -> memref<128xi32, #tpu.memory_space<vmem>>
    %dma_wait3A_163 = arith.constant 0 : i32
    %dma_wait3A_164 = arith.constant 0 : i32
    %dma_wait3A_165 = tpu.memref_slice %arg7[%dma_wait3A_163, %dma_wait3A_164] : memref<6250x16xf32, #tpu.memory_space<hbm>> -> memref<6250x16xf32, #tpu.memory_space<hbm>>
    tpu.wait_indirect_dma semaphore(%arg23 : memref<!tpu.dma_semaphore, #tpu.memory_space<semaphore_mem>>) src(%dma_wait3A_165 : memref<6250x16xf32, #tpu.memory_space<hbm>>) dst(%arg20 : memref<128x16xf32, #tpu.memory_space<vmem>>)
    %dma_start3A_166 = arith.constant 2 : i32
    %dma_start3A_167 = arith.constant 0 : i32
    %dma_start3A_168 = tpu.memref_slice %arg9[%dma_start3A_166, %dma_start3A_167] : memref<4x128xi32, #tpu.memory_space<vmem>> -> memref<1x128xi32, #tpu.memory_space<vmem>>
    %dma_start3A_169 = tpu.memref_squeeze %dma_start3A_168 : memref<1x128xi32, #tpu.memory_space<vmem>> -> memref<128xi32, #tpu.memory_space<vmem>>
    %dma_start3A_170 = arith.constant 0 : i32
    %dma_start3A_171 = arith.constant 0 : i32
    %dma_start3A_172 = tpu.memref_slice %arg5[%dma_start3A_170, %dma_start3A_171] : memref<100000x128xf32, #tpu.memory_space<hbm>> -> memref<100000x128xf32, #tpu.memory_space<hbm>>
    tpu.enqueue_indirect_dma source(%dma_start3A_172 : memref<100000x128xf32, #tpu.memory_space<hbm>>) target(%arg12 : memref<128x128xf32, #tpu.memory_space<vmem>>) offsets(%dma_start3A_169 : memref<128xi32, #tpu.memory_space<vmem>>) semaphore(%arg22 : memref<!tpu.dma_semaphore, #tpu.memory_space<semaphore_mem>>)
    %add3A_173 = arith.constant 256 : i32
    %add3A_174 = arith.addi %mul3A_2, %add3A_173 : i32
    %dma_start3A_175 = arith.constant 0 : i32
    %dma_start3A_176 = tpu.memref_slice %arg4[%add3A_174, %dma_start3A_175] : memref<16384x128xf32, #tpu.memory_space<hbm>> -> memref<128x128xf32, #tpu.memory_space<hbm>>
    %dma_start3A_177 = arith.constant 0 : i32
    %dma_start3A_178 = tpu.memref_slice %arg4[%add3A_174, %dma_start3A_177] : memref<16384x128xf32, #tpu.memory_space<hbm>> -> memref<128x128xf32, #tpu.memory_space<hbm>>
    tpu.enqueue_dma source(%dma_start3A_178 : memref<128x128xf32, #tpu.memory_space<hbm>>) target(%arg13 : memref<128x128xf32, #tpu.memory_space<vmem>>) target_semaphore(%arg22 : memref<!tpu.dma_semaphore, #tpu.memory_space<semaphore_mem>>)
    %dma_start3A_179 = arith.constant 2 : i32
    %dma_start3A_180 = arith.constant 0 : i32
    %dma_start3A_181 = tpu.memref_slice %arg11[%dma_start3A_179, %dma_start3A_180] : memref<4x128xi32, #tpu.memory_space<vmem>> -> memref<1x128xi32, #tpu.memory_space<vmem>>
    %dma_start3A_182 = tpu.memref_squeeze %dma_start3A_181 : memref<1x128xi32, #tpu.memory_space<vmem>> -> memref<128xi32, #tpu.memory_space<vmem>>
    %dma_start3A_183 = arith.constant 0 : i32
    %dma_start3A_184 = arith.constant 0 : i32
    %dma_start3A_185 = tpu.memref_slice %arg6[%dma_start3A_183, %dma_start3A_184] : memref<6250x16xf32, #tpu.memory_space<hbm>> -> memref<6250x16xf32, #tpu.memory_space<hbm>>
    tpu.enqueue_indirect_dma source(%dma_start3A_185 : memref<6250x16xf32, #tpu.memory_space<hbm>>) target(%arg14 : memref<128x16xf32, #tpu.memory_space<vmem>>) offsets(%dma_start3A_182 : memref<128xi32, #tpu.memory_space<vmem>>) semaphore(%arg22 : memref<!tpu.dma_semaphore, #tpu.memory_space<semaphore_mem>>)
    %dma_start3A_186 = arith.constant 2 : i32
    %dma_start3A_187 = arith.constant 0 : i32
    %dma_start3A_188 = tpu.memref_slice %arg11[%dma_start3A_186, %dma_start3A_187] : memref<4x128xi32, #tpu.memory_space<vmem>> -> memref<1x128xi32, #tpu.memory_space<vmem>>
    %dma_start3A_189 = tpu.memref_squeeze %dma_start3A_188 : memref<1x128xi32, #tpu.memory_space<vmem>> -> memref<128xi32, #tpu.memory_space<vmem>>
    %dma_start3A_190 = arith.constant 0 : i32
    %dma_start3A_191 = arith.constant 0 : i32
    %dma_start3A_192 = tpu.memref_slice %arg7[%dma_start3A_190, %dma_start3A_191] : memref<6250x16xf32, #tpu.memory_space<hbm>> -> memref<6250x16xf32, #tpu.memory_space<hbm>>
    tpu.enqueue_indirect_dma source(%dma_start3A_192 : memref<6250x16xf32, #tpu.memory_space<hbm>>) target(%arg15 : memref<128x16xf32, #tpu.memory_space<vmem>>) offsets(%dma_start3A_189 : memref<128xi32, #tpu.memory_space<vmem>>) semaphore(%arg22 : memref<!tpu.dma_semaphore, #tpu.memory_space<semaphore_mem>>)
    %scan3A_193 = arith.constant 1 : i32
    %scan3A_194 = arith.constant 0 : i32
    %scan3A_195 = arith.constant 0 : i32
    %scan3A_196 = arith.constant 8 : i32
    %scan3A_197 = arith.addi %scan3A_195, %scan3A_196 : i32
    %scan3A_198 = arith.constant 1 : i32
    %scan3A_199 = scf.for %scan3A_314 = %scan3A_195 to %scan3A_197 step %scan3A_198 iter_args(%scan3A_315 = %scan3A_194) -> (i32)  : i32 {
      %mul3A_316 = arith.constant 16 : i32
      %mul3A_317 = arith.muli %scan3A_314, %mul3A_316 : i32
      %add3A_318 = vector.broadcast %mul3A_317 : i32 to vector<16xi32>
      %add3A_319 = arith.addi %iota3A, %add3A_318 : vector<16xi32>
      %parallel_loop3A_320 = arith.constant 0 : i32
      %parallel_loop3A_321 = arith.constant 128 : i32
      %parallel_loop3A_322 = arith.constant 2 : i32
      %parallel_loop3A_323:5 = scf.for %parallel_loop3A_382 = %parallel_loop3A_320 to %parallel_loop3A_321 step %parallel_loop3A_322 iter_args(%parallel_loop3A_383 = %broadcast_in_dim3A_3, %parallel_loop3A_384 = %broadcast_in_dim3A_3, %parallel_loop3A_385 = %broadcast_in_dim3A_3, %parallel_loop3A_386 = %broadcast_in_dim3A_3, %parallel_loop3A_387 = %iota3A) -> (vector<16xf32>, vector<16xf32>, vector<16xf32>, vector<16xf32>, vector<16xi32>)  : i32 {
        %parallel_loop3A_388 = arith.constant 1 : i32
        %parallel_loop3A_389 = vector.broadcast %parallel_loop3A_388 : i32 to vector<16xi32>
        %parallel_loop3A_390 = arith.addi %parallel_loop3A_387, %parallel_loop3A_389 : vector<16xi32>
        %parallel_loop3A_391 = arith.constant 127 : i32
        %parallel_loop3A_392 = vector.broadcast %parallel_loop3A_391 : i32 to vector<16xi32>
        %parallel_loop3A_393 = arith.andi %parallel_loop3A_390, %parallel_loop3A_392 : vector<16xi32>
        %parallel_loop3A_394 = tpu.vector_load_idx %arg17[%add3A_319, %parallel_loop3A_387] : memref<128x128xf32, #tpu.memory_space<vmem>>[vector<16xi32>, vector<16xi32>], vector<16xf32>,
        %parallel_loop3A_395 = tpu.vector_load_idx %arg18[%add3A_319, %parallel_loop3A_387] : memref<128x128xf32, #tpu.memory_space<vmem>>[vector<16xi32>, vector<16xi32>], vector<16xf32>,
        %parallel_loop3A_396 = tpu.vector_load_idx %arg17[%add3A_319, %parallel_loop3A_393] : memref<128x128xf32, #tpu.memory_space<vmem>>[vector<16xi32>, vector<16xi32>], vector<16xf32>,
        %parallel_loop3A_397 = tpu.vector_load_idx %arg18[%add3A_319, %parallel_loop3A_393] : memref<128x128xf32, #tpu.memory_space<vmem>>[vector<16xi32>, vector<16xi32>], vector<16xf32>,
        %parallel_loop3A_398 = math.exp %parallel_loop3A_394 : vector<16xf32>
        %parallel_loop3A_399 = arith.constant 1.000000e+00 : f32
        %parallel_loop3A_400 = vector.broadcast %parallel_loop3A_399 : f32 to vector<16xf32>
        %parallel_loop3A_401 = arith.addf %parallel_loop3A_400, %parallel_loop3A_398 : vector<16xf32>
        %parallel_loop3A_402 = arith.divf %parallel_loop3A_395, %parallel_loop3A_401 : vector<16xf32>
        %parallel_loop3A_403 = math.exp %parallel_loop3A_396 : vector<16xf32>
        %parallel_loop3A_404 = arith.constant 1.000000e+00 : f32
        %parallel_loop3A_405 = vector.broadcast %parallel_loop3A_404 : f32 to vector<16xf32>
        %parallel_loop3A_406 = arith.addf %parallel_loop3A_405, %parallel_loop3A_403 : vector<16xf32>
        %parallel_loop3A_407 = arith.divf %parallel_loop3A_397, %parallel_loop3A_406 : vector<16xf32>
        %parallel_loop3A_408 = arith.addf %parallel_loop3A_383, %parallel_loop3A_402 : vector<16xf32>
        %parallel_loop3A_409 = arith.addf %parallel_loop3A_384, %parallel_loop3A_395 : vector<16xf32>
        %parallel_loop3A_410 = arith.addf %parallel_loop3A_385, %parallel_loop3A_407 : vector<16xf32>
        %parallel_loop3A_411 = arith.addf %parallel_loop3A_386, %parallel_loop3A_397 : vector<16xf32>
        %parallel_loop3A_412 = arith.constant 2 : i32
        %parallel_loop3A_413 = vector.broadcast %parallel_loop3A_412 : i32 to vector<16xi32>
        %parallel_loop3A_414 = arith.addi %parallel_loop3A_387, %parallel_loop3A_413 : vector<16xi32>
        %parallel_loop3A_415 = arith.constant 127 : i32
        %parallel_loop3A_416 = vector.broadcast %parallel_loop3A_415 : i32 to vector<16xi32>
        %parallel_loop3A_417 = arith.andi %parallel_loop3A_414, %parallel_loop3A_416 : vector<16xi32>
        scf.yield %parallel_loop3A_408, %parallel_loop3A_409, %parallel_loop3A_410, %parallel_loop3A_411, %parallel_loop3A_417 : vector<16xf32>, vector<16xf32>, vector<16xf32>, vector<16xf32>, vector<16xi32>
      } {sc.loop_unroll_factor = 8 : i64, sc.parallel_access}
      %add3A_324 = arith.addf %parallel_loop3A_323#1, %parallel_loop3A_323#3 : vector<16xf32>
      %mul3A_325 = arith.constant 5.000000e-01 : f32
      %mul3A_326 = vector.broadcast %mul3A_325 : f32 to vector<16xf32>
      %mul3A_327 = arith.mulf %mul3A_326, %add3A_324 : vector<16xf32>
      %add3A_328 = arith.addf %parallel_loop3A_323#0, %parallel_loop3A_323#2 : vector<16xf32>
      %sub3A = arith.subf %mul3A_327, %add3A_328 : vector<16xf32>
      %mul3A_329 = arith.constant 2.000000e-02 : f32
      %mul3A_330 = vector.broadcast %mul3A_329 : f32 to vector<16xf32>
      %mul3A_331 = arith.mulf %sub3A, %mul3A_330 : vector<16xf32>
      %exp3A = math.exp %mul3A_331 : vector<16xf32>
      %add3A_332 = arith.constant 1.000000e+00 : f32
      %add3A_333 = vector.broadcast %add3A_332 : f32 to vector<16xf32>
      %add3A_334 = arith.addf %add3A_333, %exp3A : vector<16xf32>
      %div3A = arith.constant 1.000000e+00 : f32
      %div3A_335 = vector.broadcast %div3A : f32 to vector<16xf32>
      %div3A_336 = arith.divf %div3A_335, %add3A_334 : vector<16xf32>
      %sub3A_337 = arith.constant 1.000000e+00 : f32
      %sub3A_338 = vector.broadcast %sub3A_337 : f32 to vector<16xf32>
      %sub3A_339 = arith.subf %sub3A_338, %div3A_336 : vector<16xf32>
      %mul3A_340 = arith.constant 16 : i32
      %mul3A_341 = arith.muli %scan3A_314, %mul3A_340 : i32
      %get3A = arith.constant 0 : i32
      %get3A_342 = tpu.memref_slice %arg10[%scan3A_193, %get3A] : memref<4x128xi32, #tpu.memory_space<vmem>> -> memref<1x128xi32, #tpu.memory_space<vmem>>
      %get3A_343 = tpu.memref_squeeze %get3A_342 : memref<1x128xi32, #tpu.memory_space<vmem>> -> memref<128xi32, #tpu.memory_space<vmem>>
      %get3A_344 = arith.index_cast %mul3A_341 : i32 to index
      %get3A_345 = tpu.vector_load %get3A_343[%get3A_344] {strides = array<i32>} : memref<128xi32, #tpu.memory_space<vmem>>, vector<16xi32>,
      %and3A = arith.constant 15 : i32
      %and3A_346 = vector.broadcast %and3A : i32 to vector<16xi32>
      %and3A_347 = arith.andi %get3A_345, %and3A_346 : vector<16xi32>
      %gather3A = tpu.vector_load_idx %arg19[%add3A_319, %and3A_347] : memref<128x16xf32, #tpu.memory_space<vmem>>[vector<16xi32>, vector<16xi32>], vector<16xf32>,
      %gather3A_348 = tpu.vector_load_idx %arg20[%add3A_319, %and3A_347] : memref<128x16xf32, #tpu.memory_space<vmem>>[vector<16xi32>, vector<16xi32>], vector<16xf32>,
      %exp3A_349 = math.exp %gather3A : vector<16xf32>
      %add3A_350 = arith.constant 1.000000e+00 : f32
      %add3A_351 = vector.broadcast %add3A_350 : f32 to vector<16xf32>
      %add3A_352 = arith.addf %add3A_351, %exp3A_349 : vector<16xf32>
      %div3A_353 = arith.constant 4.000000e-01 : f32
      %div3A_354 = vector.broadcast %div3A_353 : f32 to vector<16xf32>
      %div3A_355 = arith.divf %div3A_354, %add3A_352 : vector<16xf32>
      %sub3A_356 = arith.constant 4.000000e-01 : f32
      %sub3A_357 = vector.broadcast %sub3A_356 : f32 to vector<16xf32>
      %sub3A_358 = arith.subf %sub3A_357, %div3A_355 : vector<16xf32>
      %exp3A_359 = math.exp %gather3A_348 : vector<16xf32>
      %add3A_360 = arith.constant 1.000000e+00 : f32
      %add3A_361 = vector.broadcast %add3A_360 : f32 to vector<16xf32>
      %add3A_362 = arith.addf %add3A_361, %exp3A_359 : vector<16xf32>
      %div3A_363 = arith.constant 4.000000e-01 : f32
      %div3A_364 = vector.broadcast %div3A_363 : f32 to vector<16xf32>
      %div3A_365 = arith.divf %div3A_364, %add3A_362 : vector<16xf32>
      %sub3A_366 = arith.constant 4.000000e-01 : f32
      %sub3A_367 = vector.broadcast %sub3A_366 : f32 to vector<16xf32>
      %sub3A_368 = arith.subf %sub3A_367, %div3A_365 : vector<16xf32>
      %sub3A_369 = arith.constant 1.000000e+00 : f32
      %sub3A_370 = vector.broadcast %sub3A_369 : f32 to vector<16xf32>
      %sub3A_371 = arith.subf %sub3A_370, %sub3A_358 : vector<16xf32>
      %mul3A_372 = arith.mulf %sub3A_371, %sub3A_339 : vector<16xf32>
      %sub3A_373 = arith.constant 1.000000e+00 : f32
      %sub3A_374 = vector.broadcast %sub3A_373 : f32 to vector<16xf32>
      %sub3A_375 = arith.subf %sub3A_374, %sub3A_339 : vector<16xf32>
      %mul3A_376 = arith.mulf %sub3A_368, %sub3A_375 : vector<16xf32>
      %add3A_377 = arith.addf %mul3A_372, %mul3A_376 : vector<16xf32>
      %mul3A_378 = arith.constant 16 : i32
      %mul3A_379 = arith.muli %scan3A_314, %mul3A_378 : i32
      %swap3A = arith.index_cast %mul3A_379 : i32 to index
      %swap3A_380 = tpu.vector_load %arg21[%swap3A] {strides = array<i32>} : memref<128xf32, #tpu.memory_space<vmem>>, vector<16xf32>,
      tpu.vector_store %arg21[%swap3A], %add3A_377 {strides = array<i32>} : memref<128xf32, #tpu.memory_space<vmem>>, vector<16xf32>,
      %scan3A_381 = arith.constant 0 : i32
      scf.yield %scan3A_381 : i32
    }
    %scan3A_200 = arith.constant 8 : i32
    %add3A_201 = arith.constant 128 : i32
    %add3A_202 = arith.addi %mul3A_2, %add3A_201 : i32
    %dma_start3A_203 = tpu.memref_slice %arg8[%add3A_202] : memref<16384xf32, #tpu.memory_space<hbm>> -> memref<128xf32, #tpu.memory_space<hbm>>
    %dma_start3A_204 = tpu.memref_slice %arg8[%add3A_202] : memref<16384xf32, #tpu.memory_space<hbm>> -> memref<128xf32, #tpu.memory_space<hbm>>
    tpu.enqueue_dma source(%arg21 : memref<128xf32, #tpu.memory_space<vmem>>) target(%dma_start3A_204 : memref<128xf32, #tpu.memory_space<hbm>>) target_semaphore(%arg25 : memref<!tpu.dma_semaphore, #tpu.memory_space<semaphore_mem>>)
    %dma_wait3A_205 = arith.constant 2 : i32
    %dma_wait3A_206 = arith.constant 0 : i32
    %dma_wait3A_207 = tpu.memref_slice %arg9[%dma_wait3A_205, %dma_wait3A_206] : memref<4x128xi32, #tpu.memory_space<vmem>> -> memref<1x128xi32, #tpu.memory_space<vmem>>
    %dma_wait3A_208 = tpu.memref_squeeze %dma_wait3A_207 : memref<1x128xi32, #tpu.memory_space<vmem>> -> memref<128xi32, #tpu.memory_space<vmem>>
    %dma_wait3A_209 = arith.constant 0 : i32
    %dma_wait3A_210 = arith.constant 0 : i32
    %dma_wait3A_211 = tpu.memref_slice %arg5[%dma_wait3A_209, %dma_wait3A_210] : memref<100000x128xf32, #tpu.memory_space<hbm>> -> memref<100000x128xf32, #tpu.memory_space<hbm>>
    tpu.wait_indirect_dma semaphore(%arg22 : memref<!tpu.dma_semaphore, #tpu.memory_space<semaphore_mem>>) src(%dma_wait3A_211 : memref<100000x128xf32, #tpu.memory_space<hbm>>) dst(%arg12 : memref<128x128xf32, #tpu.memory_space<vmem>>)
    %dma_wait3A_212 = arith.constant 0 : i32
    %dma_wait3A_213 = tpu.memref_slice %arg4[%add3A_174, %dma_wait3A_212] : memref<16384x128xf32, #tpu.memory_space<hbm>> -> memref<128x128xf32, #tpu.memory_space<hbm>>
    %dma_wait3A_214 = arith.constant 0 : i32
    %dma_wait3A_215 = tpu.memref_slice %arg4[%add3A_174, %dma_wait3A_214] : memref<16384x128xf32, #tpu.memory_space<hbm>> -> memref<128x128xf32, #tpu.memory_space<hbm>>
    tpu.wait_dma2 semaphore(%arg22 : memref<!tpu.dma_semaphore, #tpu.memory_space<semaphore_mem>>) src(%dma_wait3A_215 : memref<128x128xf32, #tpu.memory_space<hbm>>) dst(%arg13 : memref<128x128xf32, #tpu.memory_space<vmem>>)
    %dma_wait3A_216 = arith.constant 2 : i32
    %dma_wait3A_217 = arith.constant 0 : i32
    %dma_wait3A_218 = tpu.memref_slice %arg11[%dma_wait3A_216, %dma_wait3A_217] : memref<4x128xi32, #tpu.memory_space<vmem>> -> memref<1x128xi32, #tpu.memory_space<vmem>>
    %dma_wait3A_219 = tpu.memref_squeeze %dma_wait3A_218 : memref<1x128xi32, #tpu.memory_space<vmem>> -> memref<128xi32, #tpu.memory_space<vmem>>
    %dma_wait3A_220 = arith.constant 0 : i32
    %dma_wait3A_221 = arith.constant 0 : i32
    %dma_wait3A_222 = tpu.memref_slice %arg6[%dma_wait3A_220, %dma_wait3A_221] : memref<6250x16xf32, #tpu.memory_space<hbm>> -> memref<6250x16xf32, #tpu.memory_space<hbm>>
    tpu.wait_indirect_dma semaphore(%arg22 : memref<!tpu.dma_semaphore, #tpu.memory_space<semaphore_mem>>) src(%dma_wait3A_222 : memref<6250x16xf32, #tpu.memory_space<hbm>>) dst(%arg14 : memref<128x16xf32, #tpu.memory_space<vmem>>)
    %dma_wait3A_223 = arith.constant 2 : i32
    %dma_wait3A_224 = arith.constant 0 : i32
    %dma_wait3A_225 = tpu.memref_slice %arg11[%dma_wait3A_223, %dma_wait3A_224] : memref<4x128xi32, #tpu.memory_space<vmem>> -> memref<1x128xi32, #tpu.memory_space<vmem>>
    %dma_wait3A_226 = tpu.memref_squeeze %dma_wait3A_225 : memref<1x128xi32, #tpu.memory_space<vmem>> -> memref<128xi32, #tpu.memory_space<vmem>>
    %dma_wait3A_227 = arith.constant 0 : i32
    %dma_wait3A_228 = arith.constant 0 : i32
    %dma_wait3A_229 = tpu.memref_slice %arg7[%dma_wait3A_227, %dma_wait3A_228] : memref<6250x16xf32, #tpu.memory_space<hbm>> -> memref<6250x16xf32, #tpu.memory_space<hbm>>
    tpu.wait_indirect_dma semaphore(%arg22 : memref<!tpu.dma_semaphore, #tpu.memory_space<semaphore_mem>>) src(%dma_wait3A_229 : memref<6250x16xf32, #tpu.memory_space<hbm>>) dst(%arg15 : memref<128x16xf32, #tpu.memory_space<vmem>>)
    %dma_start3A_230 = arith.constant 3 : i32
    %dma_start3A_231 = arith.constant 0 : i32
    %dma_start3A_232 = tpu.memref_slice %arg9[%dma_start3A_230, %dma_start3A_231] : memref<4x128xi32, #tpu.memory_space<vmem>> -> memref<1x128xi32, #tpu.memory_space<vmem>>
    %dma_start3A_233 = tpu.memref_squeeze %dma_start3A_232 : memref<1x128xi32, #tpu.memory_space<vmem>> -> memref<128xi32, #tpu.memory_space<vmem>>
    %dma_start3A_234 = arith.constant 0 : i32
    %dma_start3A_235 = arith.constant 0 : i32
    %dma_start3A_236 = tpu.memref_slice %arg5[%dma_start3A_234, %dma_start3A_235] : memref<100000x128xf32, #tpu.memory_space<hbm>> -> memref<100000x128xf32, #tpu.memory_space<hbm>>
    tpu.enqueue_indirect_dma source(%dma_start3A_236 : memref<100000x128xf32, #tpu.memory_space<hbm>>) target(%arg17 : memref<128x128xf32, #tpu.memory_space<vmem>>) offsets(%dma_start3A_233 : memref<128xi32, #tpu.memory_space<vmem>>) semaphore(%arg23 : memref<!tpu.dma_semaphore, #tpu.memory_space<semaphore_mem>>)
    %add3A_237 = arith.constant 384 : i32
    %add3A_238 = arith.addi %mul3A_2, %add3A_237 : i32
    %dma_start3A_239 = arith.constant 0 : i32
    %dma_start3A_240 = tpu.memref_slice %arg4[%add3A_238, %dma_start3A_239] : memref<16384x128xf32, #tpu.memory_space<hbm>> -> memref<128x128xf32, #tpu.memory_space<hbm>>
    %dma_start3A_241 = arith.constant 0 : i32
    %dma_start3A_242 = tpu.memref_slice %arg4[%add3A_238, %dma_start3A_241] : memref<16384x128xf32, #tpu.memory_space<hbm>> -> memref<128x128xf32, #tpu.memory_space<hbm>>
    tpu.enqueue_dma source(%dma_start3A_242 : memref<128x128xf32, #tpu.memory_space<hbm>>) target(%arg18 : memref<128x128xf32, #tpu.memory_space<vmem>>) target_semaphore(%arg23 : memref<!tpu.dma_semaphore, #tpu.memory_space<semaphore_mem>>)
    %dma_start3A_243 = arith.constant 3 : i32
    %dma_start3A_244 = arith.constant 0 : i32
    %dma_start3A_245 = tpu.memref_slice %arg11[%dma_start3A_243, %dma_start3A_244] : memref<4x128xi32, #tpu.memory_space<vmem>> -> memref<1x128xi32, #tpu.memory_space<vmem>>
    %dma_start3A_246 = tpu.memref_squeeze %dma_start3A_245 : memref<1x128xi32, #tpu.memory_space<vmem>> -> memref<128xi32, #tpu.memory_space<vmem>>
    %dma_start3A_247 = arith.constant 0 : i32
    %dma_start3A_248 = arith.constant 0 : i32
    %dma_start3A_249 = tpu.memref_slice %arg6[%dma_start3A_247, %dma_start3A_248] : memref<6250x16xf32, #tpu.memory_space<hbm>> -> memref<6250x16xf32, #tpu.memory_space<hbm>>
    tpu.enqueue_indirect_dma source(%dma_start3A_249 : memref<6250x16xf32, #tpu.memory_space<hbm>>) target(%arg19 : memref<128x16xf32, #tpu.memory_space<vmem>>) offsets(%dma_start3A_246 : memref<128xi32, #tpu.memory_space<vmem>>) semaphore(%arg23 : memref<!tpu.dma_semaphore, #tpu.memory_space<semaphore_mem>>)
    %dma_start3A_250 = arith.constant 3 : i32
    %dma_start3A_251 = arith.constant 0 : i32
    %dma_start3A_252 = tpu.memref_slice %arg11[%dma_start3A_250, %dma_start3A_251] : memref<4x128xi32, #tpu.memory_space<vmem>> -> memref<1x128xi32, #tpu.memory_space<vmem>>
    %dma_start3A_253 = tpu.memref_squeeze %dma_start3A_252 : memref<1x128xi32, #tpu.memory_space<vmem>> -> memref<128xi32, #tpu.memory_space<vmem>>
    %dma_start3A_254 = arith.constant 0 : i32
    %dma_start3A_255 = arith.constant 0 : i32
    %dma_start3A_256 = tpu.memref_slice %arg7[%dma_start3A_254, %dma_start3A_255] : memref<6250x16xf32, #tpu.memory_space<hbm>> -> memref<6250x16xf32, #tpu.memory_space<hbm>>
    tpu.enqueue_indirect_dma source(%dma_start3A_256 : memref<6250x16xf32, #tpu.memory_space<hbm>>) target(%arg20 : memref<128x16xf32, #tpu.memory_space<vmem>>) offsets(%dma_start3A_253 : memref<128xi32, #tpu.memory_space<vmem>>) semaphore(%arg23 : memref<!tpu.dma_semaphore, #tpu.memory_space<semaphore_mem>>)
    %dma_wait3A_257 = tpu.memref_slice %arg8[%add3A_138] : memref<16384xf32, #tpu.memory_space<hbm>> -> memref<128xf32, #tpu.memory_space<hbm>>
    %dma_wait3A_258 = tpu.memref_slice %arg8[%add3A_138] : memref<16384xf32, #tpu.memory_space<hbm>> -> memref<128xf32, #tpu.memory_space<hbm>>
    tpu.wait_dma2 semaphore(%arg24 : memref<!tpu.dma_semaphore, #tpu.memory_space<semaphore_mem>>) src(%arg16 : memref<128xf32, #tpu.memory_space<vmem>>) dst(%dma_wait3A_258 : memref<128xf32, #tpu.memory_space<hbm>>)
    %scan3A_259 = arith.constant 2 : i32
    %scan3A_260 = arith.constant 0 : i32
    %scan3A_261 = arith.constant 0 : i32
    %scan3A_262 = arith.constant 8 : i32
    %scan3A_263 = arith.addi %scan3A_261, %scan3A_262 : i32
    %scan3A_264 = arith.constant 1 : i32
    %scan3A_265 = scf.for %scan3A_314 = %scan3A_261 to %scan3A_263 step %scan3A_264 iter_args(%scan3A_315 = %scan3A_260) -> (i32)  : i32 {
      %mul3A_316 = arith.constant 16 : i32
      %mul3A_317 = arith.muli %scan3A_314, %mul3A_316 : i32
      %add3A_318 = vector.broadcast %mul3A_317 : i32 to vector<16xi32>
      %add3A_319 = arith.addi %iota3A, %add3A_318 : vector<16xi32>
      %parallel_loop3A_320 = arith.constant 0 : i32
      %parallel_loop3A_321 = arith.constant 128 : i32
      %parallel_loop3A_322 = arith.constant 2 : i32
      %parallel_loop3A_323:5 = scf.for %parallel_loop3A_382 = %parallel_loop3A_320 to %parallel_loop3A_321 step %parallel_loop3A_322 iter_args(%parallel_loop3A_383 = %broadcast_in_dim3A_3, %parallel_loop3A_384 = %broadcast_in_dim3A_3, %parallel_loop3A_385 = %broadcast_in_dim3A_3, %parallel_loop3A_386 = %broadcast_in_dim3A_3, %parallel_loop3A_387 = %iota3A) -> (vector<16xf32>, vector<16xf32>, vector<16xf32>, vector<16xf32>, vector<16xi32>)  : i32 {
        %parallel_loop3A_388 = arith.constant 1 : i32
        %parallel_loop3A_389 = vector.broadcast %parallel_loop3A_388 : i32 to vector<16xi32>
        %parallel_loop3A_390 = arith.addi %parallel_loop3A_387, %parallel_loop3A_389 : vector<16xi32>
        %parallel_loop3A_391 = arith.constant 127 : i32
        %parallel_loop3A_392 = vector.broadcast %parallel_loop3A_391 : i32 to vector<16xi32>
        %parallel_loop3A_393 = arith.andi %parallel_loop3A_390, %parallel_loop3A_392 : vector<16xi32>
        %parallel_loop3A_394 = tpu.vector_load_idx %arg12[%add3A_319, %parallel_loop3A_387] : memref<128x128xf32, #tpu.memory_space<vmem>>[vector<16xi32>, vector<16xi32>], vector<16xf32>,
        %parallel_loop3A_395 = tpu.vector_load_idx %arg13[%add3A_319, %parallel_loop3A_387] : memref<128x128xf32, #tpu.memory_space<vmem>>[vector<16xi32>, vector<16xi32>], vector<16xf32>,
        %parallel_loop3A_396 = tpu.vector_load_idx %arg12[%add3A_319, %parallel_loop3A_393] : memref<128x128xf32, #tpu.memory_space<vmem>>[vector<16xi32>, vector<16xi32>], vector<16xf32>,
        %parallel_loop3A_397 = tpu.vector_load_idx %arg13[%add3A_319, %parallel_loop3A_393] : memref<128x128xf32, #tpu.memory_space<vmem>>[vector<16xi32>, vector<16xi32>], vector<16xf32>,
        %parallel_loop3A_398 = math.exp %parallel_loop3A_394 : vector<16xf32>
        %parallel_loop3A_399 = arith.constant 1.000000e+00 : f32
        %parallel_loop3A_400 = vector.broadcast %parallel_loop3A_399 : f32 to vector<16xf32>
        %parallel_loop3A_401 = arith.addf %parallel_loop3A_400, %parallel_loop3A_398 : vector<16xf32>
        %parallel_loop3A_402 = arith.divf %parallel_loop3A_395, %parallel_loop3A_401 : vector<16xf32>
        %parallel_loop3A_403 = math.exp %parallel_loop3A_396 : vector<16xf32>
        %parallel_loop3A_404 = arith.constant 1.000000e+00 : f32
        %parallel_loop3A_405 = vector.broadcast %parallel_loop3A_404 : f32 to vector<16xf32>
        %parallel_loop3A_406 = arith.addf %parallel_loop3A_405, %parallel_loop3A_403 : vector<16xf32>
        %parallel_loop3A_407 = arith.divf %parallel_loop3A_397, %parallel_loop3A_406 : vector<16xf32>
        %parallel_loop3A_408 = arith.addf %parallel_loop3A_383, %parallel_loop3A_402 : vector<16xf32>
        %parallel_loop3A_409 = arith.addf %parallel_loop3A_384, %parallel_loop3A_395 : vector<16xf32>
        %parallel_loop3A_410 = arith.addf %parallel_loop3A_385, %parallel_loop3A_407 : vector<16xf32>
        %parallel_loop3A_411 = arith.addf %parallel_loop3A_386, %parallel_loop3A_397 : vector<16xf32>
        %parallel_loop3A_412 = arith.constant 2 : i32
        %parallel_loop3A_413 = vector.broadcast %parallel_loop3A_412 : i32 to vector<16xi32>
        %parallel_loop3A_414 = arith.addi %parallel_loop3A_387, %parallel_loop3A_413 : vector<16xi32>
        %parallel_loop3A_415 = arith.constant 127 : i32
        %parallel_loop3A_416 = vector.broadcast %parallel_loop3A_415 : i32 to vector<16xi32>
        %parallel_loop3A_417 = arith.andi %parallel_loop3A_414, %parallel_loop3A_416 : vector<16xi32>
        scf.yield %parallel_loop3A_408, %parallel_loop3A_409, %parallel_loop3A_410, %parallel_loop3A_411, %parallel_loop3A_417 : vector<16xf32>, vector<16xf32>, vector<16xf32>, vector<16xf32>, vector<16xi32>
      } {sc.loop_unroll_factor = 8 : i64, sc.parallel_access}
      %add3A_324 = arith.addf %parallel_loop3A_323#1, %parallel_loop3A_323#3 : vector<16xf32>
      %mul3A_325 = arith.constant 5.000000e-01 : f32
      %mul3A_326 = vector.broadcast %mul3A_325 : f32 to vector<16xf32>
      %mul3A_327 = arith.mulf %mul3A_326, %add3A_324 : vector<16xf32>
      %add3A_328 = arith.addf %parallel_loop3A_323#0, %parallel_loop3A_323#2 : vector<16xf32>
      %sub3A = arith.subf %mul3A_327, %add3A_328 : vector<16xf32>
      %mul3A_329 = arith.constant 2.000000e-02 : f32
      %mul3A_330 = vector.broadcast %mul3A_329 : f32 to vector<16xf32>
      %mul3A_331 = arith.mulf %sub3A, %mul3A_330 : vector<16xf32>
      %exp3A = math.exp %mul3A_331 : vector<16xf32>
      %add3A_332 = arith.constant 1.000000e+00 : f32
      %add3A_333 = vector.broadcast %add3A_332 : f32 to vector<16xf32>
      %add3A_334 = arith.addf %add3A_333, %exp3A : vector<16xf32>
      %div3A = arith.constant 1.000000e+00 : f32
      %div3A_335 = vector.broadcast %div3A : f32 to vector<16xf32>
      %div3A_336 = arith.divf %div3A_335, %add3A_334 : vector<16xf32>
      %sub3A_337 = arith.constant 1.000000e+00 : f32
      %sub3A_338 = vector.broadcast %sub3A_337 : f32 to vector<16xf32>
      %sub3A_339 = arith.subf %sub3A_338, %div3A_336 : vector<16xf32>
      %mul3A_340 = arith.constant 16 : i32
      %mul3A_341 = arith.muli %scan3A_314, %mul3A_340 : i32
      %get3A = arith.constant 0 : i32
      %get3A_342 = tpu.memref_slice %arg10[%scan3A_259, %get3A] : memref<4x128xi32, #tpu.memory_space<vmem>> -> memref<1x128xi32, #tpu.memory_space<vmem>>
      %get3A_343 = tpu.memref_squeeze %get3A_342 : memref<1x128xi32, #tpu.memory_space<vmem>> -> memref<128xi32, #tpu.memory_space<vmem>>
      %get3A_344 = arith.index_cast %mul3A_341 : i32 to index
      %get3A_345 = tpu.vector_load %get3A_343[%get3A_344] {strides = array<i32>} : memref<128xi32, #tpu.memory_space<vmem>>, vector<16xi32>,
      %and3A = arith.constant 15 : i32
      %and3A_346 = vector.broadcast %and3A : i32 to vector<16xi32>
      %and3A_347 = arith.andi %get3A_345, %and3A_346 : vector<16xi32>
      %gather3A = tpu.vector_load_idx %arg14[%add3A_319, %and3A_347] : memref<128x16xf32, #tpu.memory_space<vmem>>[vector<16xi32>, vector<16xi32>], vector<16xf32>,
      %gather3A_348 = tpu.vector_load_idx %arg15[%add3A_319, %and3A_347] : memref<128x16xf32, #tpu.memory_space<vmem>>[vector<16xi32>, vector<16xi32>], vector<16xf32>,
      %exp3A_349 = math.exp %gather3A : vector<16xf32>
      %add3A_350 = arith.constant 1.000000e+00 : f32
      %add3A_351 = vector.broadcast %add3A_350 : f32 to vector<16xf32>
      %add3A_352 = arith.addf %add3A_351, %exp3A_349 : vector<16xf32>
      %div3A_353 = arith.constant 4.000000e-01 : f32
      %div3A_354 = vector.broadcast %div3A_353 : f32 to vector<16xf32>
      %div3A_355 = arith.divf %div3A_354, %add3A_352 : vector<16xf32>
      %sub3A_356 = arith.constant 4.000000e-01 : f32
      %sub3A_357 = vector.broadcast %sub3A_356 : f32 to vector<16xf32>
      %sub3A_358 = arith.subf %sub3A_357, %div3A_355 : vector<16xf32>
      %exp3A_359 = math.exp %gather3A_348 : vector<16xf32>
      %add3A_360 = arith.constant 1.000000e+00 : f32
      %add3A_361 = vector.broadcast %add3A_360 : f32 to vector<16xf32>
      %add3A_362 = arith.addf %add3A_361, %exp3A_359 : vector<16xf32>
      %div3A_363 = arith.constant 4.000000e-01 : f32
      %div3A_364 = vector.broadcast %div3A_363 : f32 to vector<16xf32>
      %div3A_365 = arith.divf %div3A_364, %add3A_362 : vector<16xf32>
      %sub3A_366 = arith.constant 4.000000e-01 : f32
      %sub3A_367 = vector.broadcast %sub3A_366 : f32 to vector<16xf32>
      %sub3A_368 = arith.subf %sub3A_367, %div3A_365 : vector<16xf32>
      %sub3A_369 = arith.constant 1.000000e+00 : f32
      %sub3A_370 = vector.broadcast %sub3A_369 : f32 to vector<16xf32>
      %sub3A_371 = arith.subf %sub3A_370, %sub3A_358 : vector<16xf32>
      %mul3A_372 = arith.mulf %sub3A_371, %sub3A_339 : vector<16xf32>
      %sub3A_373 = arith.constant 1.000000e+00 : f32
      %sub3A_374 = vector.broadcast %sub3A_373 : f32 to vector<16xf32>
      %sub3A_375 = arith.subf %sub3A_374, %sub3A_339 : vector<16xf32>
      %mul3A_376 = arith.mulf %sub3A_368, %sub3A_375 : vector<16xf32>
      %add3A_377 = arith.addf %mul3A_372, %mul3A_376 : vector<16xf32>
      %mul3A_378 = arith.constant 16 : i32
      %mul3A_379 = arith.muli %scan3A_314, %mul3A_378 : i32
      %swap3A = arith.index_cast %mul3A_379 : i32 to index
      %swap3A_380 = tpu.vector_load %arg16[%swap3A] {strides = array<i32>} : memref<128xf32, #tpu.memory_space<vmem>>, vector<16xf32>,
      tpu.vector_store %arg16[%swap3A], %add3A_377 {strides = array<i32>} : memref<128xf32, #tpu.memory_space<vmem>>, vector<16xf32>,
      %scan3A_381 = arith.constant 0 : i32
      scf.yield %scan3A_381 : i32
    }
    %scan3A_266 = arith.constant 8 : i32
    %add3A_267 = arith.constant 256 : i32
    %add3A_268 = arith.addi %mul3A_2, %add3A_267 : i32
    %dma_start3A_269 = tpu.memref_slice %arg8[%add3A_268] : memref<16384xf32, #tpu.memory_space<hbm>> -> memref<128xf32, #tpu.memory_space<hbm>>
    %dma_start3A_270 = tpu.memref_slice %arg8[%add3A_268] : memref<16384xf32, #tpu.memory_space<hbm>> -> memref<128xf32, #tpu.memory_space<hbm>>
    tpu.enqueue_dma source(%arg16 : memref<128xf32, #tpu.memory_space<vmem>>) target(%dma_start3A_270 : memref<128xf32, #tpu.memory_space<hbm>>) target_semaphore(%arg24 : memref<!tpu.dma_semaphore, #tpu.memory_space<semaphore_mem>>)
    %dma_wait3A_271 = arith.constant 3 : i32
    %dma_wait3A_272 = arith.constant 0 : i32
    %dma_wait3A_273 = tpu.memref_slice %arg9[%dma_wait3A_271, %dma_wait3A_272] : memref<4x128xi32, #tpu.memory_space<vmem>> -> memref<1x128xi32, #tpu.memory_space<vmem>>
    %dma_wait3A_274 = tpu.memref_squeeze %dma_wait3A_273 : memref<1x128xi32, #tpu.memory_space<vmem>> -> memref<128xi32, #tpu.memory_space<vmem>>
    %dma_wait3A_275 = arith.constant 0 : i32
    %dma_wait3A_276 = arith.constant 0 : i32
    %dma_wait3A_277 = tpu.memref_slice %arg5[%dma_wait3A_275, %dma_wait3A_276] : memref<100000x128xf32, #tpu.memory_space<hbm>> -> memref<100000x128xf32, #tpu.memory_space<hbm>>
    tpu.wait_indirect_dma semaphore(%arg23 : memref<!tpu.dma_semaphore, #tpu.memory_space<semaphore_mem>>) src(%dma_wait3A_277 : memref<100000x128xf32, #tpu.memory_space<hbm>>) dst(%arg17 : memref<128x128xf32, #tpu.memory_space<vmem>>)
    %dma_wait3A_278 = arith.constant 0 : i32
    %dma_wait3A_279 = tpu.memref_slice %arg4[%add3A_238, %dma_wait3A_278] : memref<16384x128xf32, #tpu.memory_space<hbm>> -> memref<128x128xf32, #tpu.memory_space<hbm>>
    %dma_wait3A_280 = arith.constant 0 : i32
    %dma_wait3A_281 = tpu.memref_slice %arg4[%add3A_238, %dma_wait3A_280] : memref<16384x128xf32, #tpu.memory_space<hbm>> -> memref<128x128xf32, #tpu.memory_space<hbm>>
    tpu.wait_dma2 semaphore(%arg23 : memref<!tpu.dma_semaphore, #tpu.memory_space<semaphore_mem>>) src(%dma_wait3A_281 : memref<128x128xf32, #tpu.memory_space<hbm>>) dst(%arg18 : memref<128x128xf32, #tpu.memory_space<vmem>>)
    %dma_wait3A_282 = arith.constant 3 : i32
    %dma_wait3A_283 = arith.constant 0 : i32
    %dma_wait3A_284 = tpu.memref_slice %arg11[%dma_wait3A_282, %dma_wait3A_283] : memref<4x128xi32, #tpu.memory_space<vmem>> -> memref<1x128xi32, #tpu.memory_space<vmem>>
    %dma_wait3A_285 = tpu.memref_squeeze %dma_wait3A_284 : memref<1x128xi32, #tpu.memory_space<vmem>> -> memref<128xi32, #tpu.memory_space<vmem>>
    %dma_wait3A_286 = arith.constant 0 : i32
    %dma_wait3A_287 = arith.constant 0 : i32
    %dma_wait3A_288 = tpu.memref_slice %arg6[%dma_wait3A_286, %dma_wait3A_287] : memref<6250x16xf32, #tpu.memory_space<hbm>> -> memref<6250x16xf32, #tpu.memory_space<hbm>>
    tpu.wait_indirect_dma semaphore(%arg23 : memref<!tpu.dma_semaphore, #tpu.memory_space<semaphore_mem>>) src(%dma_wait3A_288 : memref<6250x16xf32, #tpu.memory_space<hbm>>) dst(%arg19 : memref<128x16xf32, #tpu.memory_space<vmem>>)
    %dma_wait3A_289 = arith.constant 3 : i32
    %dma_wait3A_290 = arith.constant 0 : i32
    %dma_wait3A_291 = tpu.memref_slice %arg11[%dma_wait3A_289, %dma_wait3A_290] : memref<4x128xi32, #tpu.memory_space<vmem>> -> memref<1x128xi32, #tpu.memory_space<vmem>>
    %dma_wait3A_292 = tpu.memref_squeeze %dma_wait3A_291 : memref<1x128xi32, #tpu.memory_space<vmem>> -> memref<128xi32, #tpu.memory_space<vmem>>
    %dma_wait3A_293 = arith.constant 0 : i32
    %dma_wait3A_294 = arith.constant 0 : i32
    %dma_wait3A_295 = tpu.memref_slice %arg7[%dma_wait3A_293, %dma_wait3A_294] : memref<6250x16xf32, #tpu.memory_space<hbm>> -> memref<6250x16xf32, #tpu.memory_space<hbm>>
    tpu.wait_indirect_dma semaphore(%arg23 : memref<!tpu.dma_semaphore, #tpu.memory_space<semaphore_mem>>) src(%dma_wait3A_295 : memref<6250x16xf32, #tpu.memory_space<hbm>>) dst(%arg20 : memref<128x16xf32, #tpu.memory_space<vmem>>)
    %dma_wait3A_296 = tpu.memref_slice %arg8[%add3A_202] : memref<16384xf32, #tpu.memory_space<hbm>> -> memref<128xf32, #tpu.memory_space<hbm>>
    %dma_wait3A_297 = tpu.memref_slice %arg8[%add3A_202] : memref<16384xf32, #tpu.memory_space<hbm>> -> memref<128xf32, #tpu.memory_space<hbm>>
    tpu.wait_dma2 semaphore(%arg25 : memref<!tpu.dma_semaphore, #tpu.memory_space<semaphore_mem>>) src(%arg21 : memref<128xf32, #tpu.memory_space<vmem>>) dst(%dma_wait3A_297 : memref<128xf32, #tpu.memory_space<hbm>>)
    %scan3A_298 = arith.constant 3 : i32
    %scan3A_299 = arith.constant 0 : i32
    %scan3A_300 = arith.constant 0 : i32
    %scan3A_301 = arith.constant 8 : i32
    %scan3A_302 = arith.addi %scan3A_300, %scan3A_301 : i32
    %scan3A_303 = arith.constant 1 : i32
    %scan3A_304 = scf.for %scan3A_314 = %scan3A_300 to %scan3A_302 step %scan3A_303 iter_args(%scan3A_315 = %scan3A_299) -> (i32)  : i32 {
      %mul3A_316 = arith.constant 16 : i32
      %mul3A_317 = arith.muli %scan3A_314, %mul3A_316 : i32
      %add3A_318 = vector.broadcast %mul3A_317 : i32 to vector<16xi32>
      %add3A_319 = arith.addi %iota3A, %add3A_318 : vector<16xi32>
      %parallel_loop3A_320 = arith.constant 0 : i32
      %parallel_loop3A_321 = arith.constant 128 : i32
      %parallel_loop3A_322 = arith.constant 2 : i32
      %parallel_loop3A_323:5 = scf.for %parallel_loop3A_382 = %parallel_loop3A_320 to %parallel_loop3A_321 step %parallel_loop3A_322 iter_args(%parallel_loop3A_383 = %broadcast_in_dim3A_3, %parallel_loop3A_384 = %broadcast_in_dim3A_3, %parallel_loop3A_385 = %broadcast_in_dim3A_3, %parallel_loop3A_386 = %broadcast_in_dim3A_3, %parallel_loop3A_387 = %iota3A) -> (vector<16xf32>, vector<16xf32>, vector<16xf32>, vector<16xf32>, vector<16xi32>)  : i32 {
        %parallel_loop3A_388 = arith.constant 1 : i32
        %parallel_loop3A_389 = vector.broadcast %parallel_loop3A_388 : i32 to vector<16xi32>
        %parallel_loop3A_390 = arith.addi %parallel_loop3A_387, %parallel_loop3A_389 : vector<16xi32>
        %parallel_loop3A_391 = arith.constant 127 : i32
        %parallel_loop3A_392 = vector.broadcast %parallel_loop3A_391 : i32 to vector<16xi32>
        %parallel_loop3A_393 = arith.andi %parallel_loop3A_390, %parallel_loop3A_392 : vector<16xi32>
        %parallel_loop3A_394 = tpu.vector_load_idx %arg17[%add3A_319, %parallel_loop3A_387] : memref<128x128xf32, #tpu.memory_space<vmem>>[vector<16xi32>, vector<16xi32>], vector<16xf32>,
        %parallel_loop3A_395 = tpu.vector_load_idx %arg18[%add3A_319, %parallel_loop3A_387] : memref<128x128xf32, #tpu.memory_space<vmem>>[vector<16xi32>, vector<16xi32>], vector<16xf32>,
        %parallel_loop3A_396 = tpu.vector_load_idx %arg17[%add3A_319, %parallel_loop3A_393] : memref<128x128xf32, #tpu.memory_space<vmem>>[vector<16xi32>, vector<16xi32>], vector<16xf32>,
        %parallel_loop3A_397 = tpu.vector_load_idx %arg18[%add3A_319, %parallel_loop3A_393] : memref<128x128xf32, #tpu.memory_space<vmem>>[vector<16xi32>, vector<16xi32>], vector<16xf32>,
        %parallel_loop3A_398 = math.exp %parallel_loop3A_394 : vector<16xf32>
        %parallel_loop3A_399 = arith.constant 1.000000e+00 : f32
        %parallel_loop3A_400 = vector.broadcast %parallel_loop3A_399 : f32 to vector<16xf32>
        %parallel_loop3A_401 = arith.addf %parallel_loop3A_400, %parallel_loop3A_398 : vector<16xf32>
        %parallel_loop3A_402 = arith.divf %parallel_loop3A_395, %parallel_loop3A_401 : vector<16xf32>
        %parallel_loop3A_403 = math.exp %parallel_loop3A_396 : vector<16xf32>
        %parallel_loop3A_404 = arith.constant 1.000000e+00 : f32
        %parallel_loop3A_405 = vector.broadcast %parallel_loop3A_404 : f32 to vector<16xf32>
        %parallel_loop3A_406 = arith.addf %parallel_loop3A_405, %parallel_loop3A_403 : vector<16xf32>
        %parallel_loop3A_407 = arith.divf %parallel_loop3A_397, %parallel_loop3A_406 : vector<16xf32>
        %parallel_loop3A_408 = arith.addf %parallel_loop3A_383, %parallel_loop3A_402 : vector<16xf32>
        %parallel_loop3A_409 = arith.addf %parallel_loop3A_384, %parallel_loop3A_395 : vector<16xf32>
        %parallel_loop3A_410 = arith.addf %parallel_loop3A_385, %parallel_loop3A_407 : vector<16xf32>
        %parallel_loop3A_411 = arith.addf %parallel_loop3A_386, %parallel_loop3A_397 : vector<16xf32>
        %parallel_loop3A_412 = arith.constant 2 : i32
        %parallel_loop3A_413 = vector.broadcast %parallel_loop3A_412 : i32 to vector<16xi32>
        %parallel_loop3A_414 = arith.addi %parallel_loop3A_387, %parallel_loop3A_413 : vector<16xi32>
        %parallel_loop3A_415 = arith.constant 127 : i32
        %parallel_loop3A_416 = vector.broadcast %parallel_loop3A_415 : i32 to vector<16xi32>
        %parallel_loop3A_417 = arith.andi %parallel_loop3A_414, %parallel_loop3A_416 : vector<16xi32>
        scf.yield %parallel_loop3A_408, %parallel_loop3A_409, %parallel_loop3A_410, %parallel_loop3A_411, %parallel_loop3A_417 : vector<16xf32>, vector<16xf32>, vector<16xf32>, vector<16xf32>, vector<16xi32>
      } {sc.loop_unroll_factor = 8 : i64, sc.parallel_access}
      %add3A_324 = arith.addf %parallel_loop3A_323#1, %parallel_loop3A_323#3 : vector<16xf32>
      %mul3A_325 = arith.constant 5.000000e-01 : f32
      %mul3A_326 = vector.broadcast %mul3A_325 : f32 to vector<16xf32>
      %mul3A_327 = arith.mulf %mul3A_326, %add3A_324 : vector<16xf32>
      %add3A_328 = arith.addf %parallel_loop3A_323#0, %parallel_loop3A_323#2 : vector<16xf32>
      %sub3A = arith.subf %mul3A_327, %add3A_328 : vector<16xf32>
      %mul3A_329 = arith.constant 2.000000e-02 : f32
      %mul3A_330 = vector.broadcast %mul3A_329 : f32 to vector<16xf32>
      %mul3A_331 = arith.mulf %sub3A, %mul3A_330 : vector<16xf32>
      %exp3A = math.exp %mul3A_331 : vector<16xf32>
      %add3A_332 = arith.constant 1.000000e+00 : f32
      %add3A_333 = vector.broadcast %add3A_332 : f32 to vector<16xf32>
      %add3A_334 = arith.addf %add3A_333, %exp3A : vector<16xf32>
      %div3A = arith.constant 1.000000e+00 : f32
      %div3A_335 = vector.broadcast %div3A : f32 to vector<16xf32>
      %div3A_336 = arith.divf %div3A_335, %add3A_334 : vector<16xf32>
      %sub3A_337 = arith.constant 1.000000e+00 : f32
      %sub3A_338 = vector.broadcast %sub3A_337 : f32 to vector<16xf32>
      %sub3A_339 = arith.subf %sub3A_338, %div3A_336 : vector<16xf32>
      %mul3A_340 = arith.constant 16 : i32
      %mul3A_341 = arith.muli %scan3A_314, %mul3A_340 : i32
      %get3A = arith.constant 0 : i32
      %get3A_342 = tpu.memref_slice %arg10[%scan3A_298, %get3A] : memref<4x128xi32, #tpu.memory_space<vmem>> -> memref<1x128xi32, #tpu.memory_space<vmem>>
      %get3A_343 = tpu.memref_squeeze %get3A_342 : memref<1x128xi32, #tpu.memory_space<vmem>> -> memref<128xi32, #tpu.memory_space<vmem>>
      %get3A_344 = arith.index_cast %mul3A_341 : i32 to index
      %get3A_345 = tpu.vector_load %get3A_343[%get3A_344] {strides = array<i32>} : memref<128xi32, #tpu.memory_space<vmem>>, vector<16xi32>,
      %and3A = arith.constant 15 : i32
      %and3A_346 = vector.broadcast %and3A : i32 to vector<16xi32>
      %and3A_347 = arith.andi %get3A_345, %and3A_346 : vector<16xi32>
      %gather3A = tpu.vector_load_idx %arg19[%add3A_319, %and3A_347] : memref<128x16xf32, #tpu.memory_space<vmem>>[vector<16xi32>, vector<16xi32>], vector<16xf32>,
      %gather3A_348 = tpu.vector_load_idx %arg20[%add3A_319, %and3A_347] : memref<128x16xf32, #tpu.memory_space<vmem>>[vector<16xi32>, vector<16xi32>], vector<16xf32>,
      %exp3A_349 = math.exp %gather3A : vector<16xf32>
      %add3A_350 = arith.constant 1.000000e+00 : f32
      %add3A_351 = vector.broadcast %add3A_350 : f32 to vector<16xf32>
      %add3A_352 = arith.addf %add3A_351, %exp3A_349 : vector<16xf32>
      %div3A_353 = arith.constant 4.000000e-01 : f32
      %div3A_354 = vector.broadcast %div3A_353 : f32 to vector<16xf32>
      %div3A_355 = arith.divf %div3A_354, %add3A_352 : vector<16xf32>
      %sub3A_356 = arith.constant 4.000000e-01 : f32
      %sub3A_357 = vector.broadcast %sub3A_356 : f32 to vector<16xf32>
      %sub3A_358 = arith.subf %sub3A_357, %div3A_355 : vector<16xf32>
      %exp3A_359 = math.exp %gather3A_348 : vector<16xf32>
      %add3A_360 = arith.constant 1.000000e+00 : f32
      %add3A_361 = vector.broadcast %add3A_360 : f32 to vector<16xf32>
      %add3A_362 = arith.addf %add3A_361, %exp3A_359 : vector<16xf32>
      %div3A_363 = arith.constant 4.000000e-01 : f32
      %div3A_364 = vector.broadcast %div3A_363 : f32 to vector<16xf32>
      %div3A_365 = arith.divf %div3A_364, %add3A_362 : vector<16xf32>
      %sub3A_366 = arith.constant 4.000000e-01 : f32
      %sub3A_367 = vector.broadcast %sub3A_366 : f32 to vector<16xf32>
      %sub3A_368 = arith.subf %sub3A_367, %div3A_365 : vector<16xf32>
      %sub3A_369 = arith.constant 1.000000e+00 : f32
      %sub3A_370 = vector.broadcast %sub3A_369 : f32 to vector<16xf32>
      %sub3A_371 = arith.subf %sub3A_370, %sub3A_358 : vector<16xf32>
      %mul3A_372 = arith.mulf %sub3A_371, %sub3A_339 : vector<16xf32>
      %sub3A_373 = arith.constant 1.000000e+00 : f32
      %sub3A_374 = vector.broadcast %sub3A_373 : f32 to vector<16xf32>
      %sub3A_375 = arith.subf %sub3A_374, %sub3A_339 : vector<16xf32>
      %mul3A_376 = arith.mulf %sub3A_368, %sub3A_375 : vector<16xf32>
      %add3A_377 = arith.addf %mul3A_372, %mul3A_376 : vector<16xf32>
      %mul3A_378 = arith.constant 16 : i32
      %mul3A_379 = arith.muli %scan3A_314, %mul3A_378 : i32
      %swap3A = arith.index_cast %mul3A_379 : i32 to index
      %swap3A_380 = tpu.vector_load %arg21[%swap3A] {strides = array<i32>} : memref<128xf32, #tpu.memory_space<vmem>>, vector<16xf32>,
      tpu.vector_store %arg21[%swap3A], %add3A_377 {strides = array<i32>} : memref<128xf32, #tpu.memory_space<vmem>>, vector<16xf32>,
      %scan3A_381 = arith.constant 0 : i32
      scf.yield %scan3A_381 : i32
    }
    %scan3A_305 = arith.constant 8 : i32
    %add3A_306 = arith.constant 384 : i32
    %add3A_307 = arith.addi %mul3A_2, %add3A_306 : i32
    %dma_start3A_308 = tpu.memref_slice %arg8[%add3A_307] : memref<16384xf32, #tpu.memory_space<hbm>> -> memref<128xf32, #tpu.memory_space<hbm>>
    %dma_start3A_309 = tpu.memref_slice %arg8[%add3A_307] : memref<16384xf32, #tpu.memory_space<hbm>> -> memref<128xf32, #tpu.memory_space<hbm>>
    tpu.enqueue_dma source(%arg21 : memref<128xf32, #tpu.memory_space<vmem>>) target(%dma_start3A_309 : memref<128xf32, #tpu.memory_space<hbm>>) target_semaphore(%arg25 : memref<!tpu.dma_semaphore, #tpu.memory_space<semaphore_mem>>)
    %dma_wait3A_310 = tpu.memref_slice %arg8[%add3A_268] : memref<16384xf32, #tpu.memory_space<hbm>> -> memref<128xf32, #tpu.memory_space<hbm>>
    %dma_wait3A_311 = tpu.memref_slice %arg8[%add3A_268] : memref<16384xf32, #tpu.memory_space<hbm>> -> memref<128xf32, #tpu.memory_space<hbm>>
    tpu.wait_dma2 semaphore(%arg24 : memref<!tpu.dma_semaphore, #tpu.memory_space<semaphore_mem>>) src(%arg16 : memref<128xf32, #tpu.memory_space<vmem>>) dst(%dma_wait3A_311 : memref<128xf32, #tpu.memory_space<hbm>>)
    %dma_wait3A_312 = tpu.memref_slice %arg8[%add3A_307] : memref<16384xf32, #tpu.memory_space<hbm>> -> memref<128xf32, #tpu.memory_space<hbm>>
    %dma_wait3A_313 = tpu.memref_slice %arg8[%add3A_307] : memref<16384xf32, #tpu.memory_space<hbm>> -> memref<128xf32, #tpu.memory_space<hbm>>
    tpu.wait_dma2 semaphore(%arg25 : memref<!tpu.dma_semaphore, #tpu.memory_space<semaphore_mem>>) src(%arg21 : memref<128xf32, #tpu.memory_space<vmem>>) dst(%dma_wait3A_313 : memref<128xf32, #tpu.memory_space<hbm>>)
    return
  }
}

</mosaic_0001>

<sc_bundles>
// kernel: _dina.3.cloned.1.call-start
scs
__scs_entry_jumppad:
0x0: {  	(pc) =	sbr.rel $0x88, $3  }
0x1: {  	(tag) =	ssettag $0x0;
	lr =	simm.s32 $0x1  }
0x2: {  	[smem:$0x3F9B] =	sst lr;
	_ =	strace $0xD0000000  }
0x3: {  	_ = 	snop  }
0x4: {  	_ = 	snop  }
0x5: {  	_ = 	snop  }
0x6: {  	_ = 	snop  }
0x7: {  	_ = 	snop  }
__scs_overlays_trampoline_lowered:
0x8: {  	[smem:$0x3FAA] =	sst s0  }
0x9: {  	[smem:$0x3FAB] =	sst s1  }
0xa: {  	[smem:$0x3FAC] =	sst s2  }
0xb: {  	[smem:$0x3FAD] =	sst s3  }
0xc: {  	[smem:$0x3FAE] =	sst s4  }
0xd: {  	[smem:$0x3FAF] =	sst s5  }
0xe: {  	[smem:$0x3FB0] =	sst s6  }
0xf: {  	[smem:$0x3FB1] =	sst s7  }
0x10: {  	[smem:$0x3FB2] =	sst s8  }
0x11: {  	[smem:$0x3FB3] =	sst s9;
	s0 =	simm.s32 @!p0 $0x0  }
0x12: {  	s1 =	sld [smem:$0x3F99];
	s0 =	simm.s32 @p0 $0x1  }
0x13: {  	[smem:$0x3FB4] =	sst s0;
	s0 =	simm.s32 @!p1 $0x0  }
0x14: {  	s2 =	sld [smem:$0x3F98];
	s0 =	simm.s32 @p1 $0x1  }
0x15: {  	[smem:$0x3FB5] =	sst s0;
	s0 =	simm.s32 @!p2 $0x0  }
0x16: {  	s3 =	sld [smem:$0x3FDB];
	s0 =	simm.s32 @p2 $0x1  }
0x17: {  	s4 =	simm.s32 $0x1BF5;
	[smem:$0x3FB7] =	sst s0  }
0x18: {  	s0 =	sld [smem:$0x3F9A];
	_ =	swait.ge [sflag:s4], $0x0  }
0x19: {  	s7 =	sld [smem:$0x3F9B]  }
0x1a: {  	s8 =	sadd.s32 $0xFFFFE003, lr  }
0x1b: {  	s9 =	sadd.s32 $0xFFFFFEF7, lr;
	s5 =	simm.s32 $0xFFFFFFFF;
	p2 =	slt.u32 s8, $0xFFFFF086  }
0x1c: {  	p1 =	slt.u32 s9, $0xF7A;
	s5 =	simm.s32 @!p2 $0x0  }
0x1d: {  	s5 =	simm.s32 @p1 $0x1;
	p0 =	seq.s32 s7, s2  }
0x1e: {  	s7 =	smul.u32 @!p0 $0xF7A, s2;
	p2 =	seq.s32 @!p0 s5, $0x0  }
0x1f: {  	s9 =	smul.u32 $0xF7A, s1;
	s8 =	simm.s32 @!p0 $0x1BF5;
	p2 =	por !p2, p0  }
0x20: {  	[sflag:s8] =	ssyncset.s32 @!p0 $0xFFFFF086;
	s6 =	sadd.s32 @!p0 s3, s7;
	s7 =	simm.s32 @!p0 $0x108  }
0x21: {  	s3 =	sadd.s32 s3, s9;
	s6 =	sadd.s32 @!p0 $0x88, s6;
	s7 =	simm.s32 @p2 $0x1082  }
0x22: {  	[simem:s7], [sflag:s8] =	dma.local @!p0 [hbm:s6], $0xF7A  }
0x23: {  	s9 =	sor.u32 $0xD0000000, s2;
	s6 =	simm.s32 $0x108;
	_ =	swait.ge @!p0 [sflag:s8], $0x0  }
0x24: {  	s3 =	sadd.s32 $0x88, s3;
	s6 =	simm.s32 @!p1 $0x1082;
	[sflag:s4] =	ssyncset.s32 $0xFFFFF086  }
0x25: {  	[simem:s6], [sflag:s4] =	dma.local [hbm:s3], $0xF7A  }
0x26: {  	[smem:$0x3F9B] =	sst s1;
	(tag) =	ssettag s2;
	_ =	strace s9  }
0x27: {  	s1 =	sld [smem:$0x3FAB]  }
0x28: {  	s2 =	sld [smem:$0x3FAC]  }
0x29: {  	s4 =	sld [smem:$0x3FAE]  }
0x2a: {  	p0 =	seq.s32 s5, $0x0;
	s5 =	sld [smem:$0x3FAF]  }
0x2b: {  	s6 =	sld [smem:$0x3FB0]  }
0x2c: {  	s7 =	sld [smem:$0x3FB1]  }
0x2d: {  	s3 =	simm.s32 $0x108;
	s8 =	sld [smem:$0x3FB2]  }
0x2e: {  	s3 =	simm.s32 @!p0 $0x1082;
	s9 =	sld [smem:$0x3FB3]  }
0x2f: {  	lr =	sadd.s32 s0, s3;
	s0 =	sld [smem:$0x3FAA]  }
0x30: {  	s3 =	sld [smem:$0x3FAD]  }
0x31: {  	[smem:$0x3FB6] =	sst s10  }
0x32: {  	s10 =	sld [smem:$0x3FB4];
	_ =	sdelay $0x3  }
0x33: {  	p0 =	seq.s32 s10, $0x1;
	s10 =	sld [smem:$0x3FB6];
	_ =	sdelay $0x3  }
0x34: {  	[smem:$0x3FB6] =	sst s10  }
0x35: {  	s10 =	sld [smem:$0x3FB5];
	_ =	sdelay $0x3  }
0x36: {  	p1 =	seq.s32 s10, $0x1;
	s10 =	sld [smem:$0x3FB6];
	_ =	sdelay $0x3  }
0x37: {  	[smem:$0x3FB6] =	sst s10  }
0x38: {  	s10 =	sld [smem:$0x3FB7]  }
0x39: {  	_ = 	snop;
	(pc) =	sbr.ind lr, $3  }
0x3a: {  	_ = 	snop  }
0x3b: {  	_ = 	snop  }
0x3c: {  	p2 =	seq.s32 s10, $0x1;
	s10 =	sld [smem:$0x3FB6]  }
0x3d: {  	_ =	shalt  }
0x3e: {  	_ =	shalt  }
0x3f: {  	_ =	shalt  }
0x40: {  	_ =	shalt  }
0x41: {  	_ =	shalt  }
0x42: {  	_ =	shalt  }
0x43: {  	_ =	shalt  }
0x44: {  	_ =	shalt  }
0x45: {  	_ =	shalt  }
0x46: {  	_ =	shalt  }
0x47: {  	_ =	shalt  }
0x48: {  	_ =	shalt  }
0x49: {  	_ =	shalt  }
0x4a: {  	_ =	shalt  }
0x4b: {  	_ =	shalt  }
0x4c: {  	_ =	shalt  }
0x4d: {  	_ =	shalt  }
0x4e: {  	_ =	shalt  }
0x4f: {  	_ =	shalt  }
0x50: {  	_ =	shalt  }
0x51: {  	_ =	shalt  }
0x52: {  	_ =	shalt  }
0x53: {  	_ =	shalt  }
0x54: {  	_ =	shalt  }
0x55: {  	_ =	shalt  }
0x56: {  	_ =	shalt  }
0x57: {  	_ =	shalt  }
0x58: {  	_ =	shalt  }
0x59: {  	_ =	shalt  }
0x5a: {  	_ =	shalt  }
0x5b: {  	_ =	shalt  }
0x5c: {  	_ =	shalt  }
0x5d: {  	_ =	shalt  }
0x5e: {  	_ =	shalt  }
0x5f: {  	_ =	shalt  }
0x60: {  	_ =	shalt  }
0x61: {  	_ =	shalt  }
0x62: {  	_ =	shalt  }
0x63: {  	_ =	shalt  }
0x64: {  	_ =	shalt  }
0x65: {  	_ =	shalt  }
0x66: {  	_ =	shalt  }
0x67: {  	_ =	shalt  }
0x68: {  	_ =	shalt  }
0x69: {  	_ =	shalt  }
0x6a: {  	_ =	shalt  }
0x6b: {  	_ =	shalt  }
0x6c: {  	_ =	shalt  }
0x6d: {  	_ =	shalt  }
0x6e: {  	_ =	shalt  }
0x6f: {  	_ =	shalt  }
0x70: {  	_ =	shalt  }
0x71: {  	_ =	shalt  }
0x72: {  	_ =	shalt  }
0x73: {  	_ =	shalt  }
0x74: {  	_ =	shalt  }
0x75: {  	_ =	shalt  }
0x76: {  	_ =	shalt  }
0x77: {  	_ =	shalt  }
0x78: {  	_ =	shalt  }
0x79: {  	_ =	shalt  }
0x7a: {  	_ =	shalt  }
0x7b: {  	_ =	shalt  }
0x7c: {  	_ =	shalt  }
0x7d: {  	_ =	shalt  }
0x7e: {  	_ =	shalt  }
0x7f: {  	_ =	shalt  }
0x80: {  	_ =	shalt  }
0x81: {  	_ =	shalt  }
0x82: {  	_ =	shalt  }
0x83: {  	_ =	shalt  }
0x84: {  	_ =	shalt  }
0x85: {  	_ =	shalt  }
0x86: {  	_ =	shalt  }
0x87: {  	_ =	shalt  }
.Lfunc_end0:
.L_simem_size_0:
called_computation_lowered:
.L_overlay_start_0:
0x88: {  	s2 =	sld [smem:$0x3FD9]  }
0x89: {  	s3 =	sld [smem:$0x3FFE];
	_ =	sdelay $0x1  }
0x8a: {  	s1 =	srdreg.scid  }
0x8b: {  	s0 =	sand.u32 $0x1, s1  }
0x8c: {  	s17 =	sshll.u32 s0, $0xA;
	s2 =	sadd.s32 s3, s2  }
0x8d: {  	s2 =	sadd.s32 s2, s17  }
0x8e: {  	[smem:$0x3FC2] =	sst s2  }
0x8f: {  	_ = 	snop  }
0x90: {  	s2 =	sld [smem:$0x3FC9]  }
0x91: {  	s18 =	sld [smem:$0x3FC8]  }
0x92: {  	s4 =	sld [smem:$0x3FC7]  }
0x93: {  	s5 =	sld [smem:$0x3FC6]  }
0x94: {  	s6 =	sld [smem:$0x3FD0];
	(tm) =	ssettm $0x1  }
0x95: {  	s7 =	sld [smem:$0x3FFB];
	_ =	sdelay $0x3  }
0x96: {  	_ =	strace s7  }
0x97: {  	s7 =	sld [smem:$0x3FFC];
	_ =	sdelay $0x3  }
0x98: {  	_ =	strace s7  }
0x99: {  	s7 =	sld [smem:$0x3FFD];
	_ =	sdelay $0x3  }
0x9a: {  	_ =	strace s7  }
0x9b: {  	_ =	strace $0x8FFFFFFF  }
0x9c: {  	s19 =	sld [smem:$0x3FDB];
	_ =	sdelay $0x1  }
0x9d: {  	s8 =	simm.s32 $_scs_section_size  }
0x9e: {  	s9 =	simm.s32 $_size__tile_overlayer_lowered;
	s10 =	simm.s32 $_tile_overlayer_lowered  }
0x9f: {  	s22 =	simm.s32 $0x1BFF;
	s21 =	sshll.u32 s10, $0x1;
	s7 =	sadd.s32 s8, s19  }
0xa0: {  	s11 =	simm.s32 $0x0;
	s20 =	sshll.u32 s9, $0x1;
	s9 =	sadd.s32 s21, s7  }
0xa1: {  	[timem:s11], [sflag:s22] =	dma.local [hbm:s9], s20  }
0xa2: {  	_ =	swait.ge [sflag:s22], s20  }
0xa3: {  	s8 =	ssub.s32 $0x0, s20;
	[sflag:s22] =	ssyncset.done $0x0  }
0xa4: {  	[sflag:s22] =	ssyncadd.s32 s8;
	_ =	sdelay $0x1  }
0xa5: {  	s23 =	simm.s32 $0x1B8B  }
0xa6: {  	_ =	swait.ge [sflag:s23], $0x1  }
0xa7: {  	[sflag:s23] =	ssyncset.done $0x0  }
0xa8: {  	s25 =	simm.s32 $0x1B8E;
	s24 =	sld [smem:$0x3FFE];
	[sflag:s23] =	ssyncadd.s32 $0xFFFFFFFF  }
0xa9: {  	s26 =	simm.s32 $execute0_lowered;
	[smem:$0x3FD2] =	sst s25  }
0xaa: {  	s9 =	sshll.u32 s26, $0x1;
	_ =	strace $0x80000046;
	[dreg:$0x1] =	wrdreg $0xFFFFFFFF  }
0xab: {  	s28 =	simm.s32 $_size_execute0_lowered;
	s7 =	sadd.s32 s7, s9;
	[dreg:$0x0] =	wrdreg $0x0  }
0xac: {  	s9 =	sshll.u32 s28, $0x1;
	[dreg:$0x2] =	wrdreg s7  }
0xad: {  	[dreg:$0x3] =	wrdreg s9  }
0xae: {  	[dreg:$0x4] =	wrdreg $0xC0  }
0xaf: {  	_ =	task [dreg:s11], $0x5FFFF  }
0xb0: {  	[dreg:$0x1] =	wrdreg $0xFFFFFFFF  }
0xb1: {  	[dreg:$0x0] =	wrdreg $0x60  }
0xb2: {  	[dreg:$0x2] =	wrdreg s2  }
0xb3: {  	[dreg:$0x3] =	wrdreg s18  }
0xb4: {  	[dreg:$0x4] =	wrdreg s4  }
0xb5: {  	[dreg:$0x5] =	wrdreg s5  }
0xb6: {  	[dreg:$0x6] =	wrdreg s24  }
0xb7: {  	[dreg:$0x7] =	wrdreg s6  }
0xb8: {  	[dreg:$0x8] =	wrdreg $0x9  }
0xb9: {  	_ =	task.clear_ibuf [dreg:s11], $0x9FFFF;
	_ =	strace $0x90000046  }
0xba: {  	s29 =	simm.s32 $0x9;
	_ =	strace $0x80000048  }
0xbb: {  	_ =	swait.ge [sflag:s29], $0x1  }
0xbc: {  	[sflag:s29] =	ssyncadd.s32 $0xFFFFFFFF  }
0xbd: {  	_ =	strace $0x90000048  }
0xbe: {  	_ =	sfence  }
0xbf: {  	s30 =	sld [smem:$0x0];
	_ =	sdelay $0x2  }
0xc0: {  	s31 =	sshll.u32 s1, $0xD;
	s1 =	sshrl.u32 s1, $0x2  }
0xc1: {  	s3 =	sand.u32 $0x4000, s31;
	s1 =	sadd.s32 s1, s30  }
0xc2: {  	s0 =	sor.u32 s3, s0;
	s1 =	sshll.u32 s1, $0x11  }
0xc3: {  	s0 =	sor.u32 s1, s0  }
0xc4: {  	s0 =	sadd.s32 $0x8F2B, s0  }
0xc5: {  	[sflag:s0] =	ssyncadd.remote.s32 $0x1  }
0xc6: {  	_ =	sfence.sel $0xFFFF  }
0xc7: {  	[dreg:$0x0] =	wrdreg $0xFFFFFFFF;
	(pc) =	sbr.abs _section_cstart, $3  }
0xc8: {  	[dreg:$0x1] =	wrdreg $0xFFFFFFFF  }
0xc9: {  	_ =	task.clear_ibuf [dreg:s11], $0x2FFFF;
	_ =	strace $0x9FFFFFFF  }
0xca: {  	(tm) =	ssettm $0x7FFFFFFF  }
0xcb: {  	_ =	shalt  }
tec
execute0_lowered:
.L_overlay_start_1:
0x0: {  	(tag) =	ssettag $0x1  }
0x1: {  	s0 =	rddreg [dreg:$0x0]  }
0x2: {  	s3 =	rddreg [dreg:$0x1]  }
0x3: {  	s6 =	rddreg [dreg:$0x2]  }
0x4: {  	s1 =	rddreg [dreg:$0x3]  }
0x5: {  	s5 =	rddreg [dreg:$0x4]  }
0x6: {  	s15 =	rddreg [dreg:$0x5];
	s2 =	simm.s32 $0x0  }
0x7: {  	s4 =	srdreg.scid;
	s10 =	stileid.u32;
	s17 =	simm.s32 $0x4600  }
0x8: {  	s19 =	simm.s32 $0x2;
	s20 =	simm.s32 $0x80;
	s21 =	simm.s32 $0x600  }
0x9: {  	s28 =	simm.s32 $0xD680;
	s30 =	simm.s32 $0x11680;
	s31 =	simm.s32 $0x11E80  }
0xa: {  	s29 =	simm.s32 $0x3;
	s18 =	simm.s32 $0x0;
	[smem:$0x7FF] =	sst s2  }
0xb: {  	s7 =	sand.u32 $0x1, s4;
	s4 =	sadd.s32 $0x400, s5;
	s10 =	sshll.u32 s10, $0xA  }
0xc: {  	s5 =	sadd.s32 $0x3600, s5;
	s8 =	ssub.s32 $0x2, s7;
	s7 =	sshll.u32 s7, $0x9  }
0xd: {  	_ =	strace $0x80000047;
	s9 =	sshrl.u32 s8, $0x1;
	s13 =	sor.u32 s7, s10  }
0xe: {  	s16 =	ssub.s32 s8, s9;
	s7 =	sshll.u32 s13, $0x4;
	s10 =	sshrl.u32 s13, $0x3  }
0xf: {  	s11 =	sor.u32 $0x80, s13;
	s24 =	sor.u32 $0x100, s13;
	s26 =	sor.u32 $0x180, s13  }
0x10: {  	s7 =	sadd.s32 s6, s7;
	s0 =	sadd.s32 s0, s10;
	s23 =	sshll.u32 s11, $0x4  }
0x11: {  	s8 =	sadd.s32 s3, s10;
	s10 =	sadd.s32 s15, s10;
	s25 =	sshll.u32 s24, $0x4  }
0x12: {  	s12 =	sshrl.u32 s11, $0x3;
	s13 =	sshll.u32 s26, $0x4;
	s3 =	sshrl.u32 s26, $0x3  }
0x13: {  	s16 =	smax.u32 s16, $0x1;
	s26 =	simm.s32 $0x9680;
	[dreg:$0x7] =	wrdreg s7  }
0x14: {  	[dreg:$0x8] =	wrdreg s0;
	s9 =	sadd.s32 s6, s23;
	s11 =	sadd.s32 s6, s25  }
0x15: {  	s12 =	sadd.s32 s15, s12;
	s0 =	sshrl.u32 s24, $0x3;
	s13 =	sadd.s32 s6, s13  }
0x16: {  	s23 =	simm.s32 $0x8600;
	s24 =	simm.s32 $0x8E00;
	s25 =	simm.s32 $0x1  }
0x17: {  	s14 =	sadd.s32 s15, s0;
	s15 =	sadd.s32 s15, s3;
	s0 =	simm.s32 $0x4  }
.LBB2_1:
0x18: {  	s3 =	rddreg [dreg:$0x7]  }
0x19: {  	[tilespmem:s17], [sflag:$0x1] =	stream.linear.gather [hbm4b:s3+s2], $0x4000, $0x38;
	[tilespmem:$0x12700] =	vst v63  }
0x1a: {  	s7 =	rddreg [dreg:$0x8]  }
0x1b: {  	[tilespmem:s2], [sflag:$0x2] =	stream.linear.gather [hbm4b:s7+s2], $0x200, $0x38;
	[tilespmem:$0x12700] =	vst v63  }
0x1c: {  	s22 =	simm.s32 $0x200  }
0x1d: {  	[tilespmem:s22], [sflag:$0x2] =	stream.linear.gather [hbm4b:s8+s2], $0x200, $0x38;
	[tilespmem:$0x12700] =	vst v63  }
0x1e: {  	_ =	swait.ge [sflag:s19], $0x200  }
0x1f: {  	[sflag:s19] =	ssyncset.done $0x0  }
0x20: {  	[sflag:s19] =	ssyncadd.s32 $0xFFFFFE00  }
0x21: {  	[tilespmem:s21], [sflag:$0x1] =	stream.indirect.gather [hbm4b:s1+s20], $0x80, s2, s20, $0xb8;
	[tilespmem:$0x12700] =	vst v63  }
0x22: {  	_ =	swait.ge [sflag:s19], $0x200  }
0x23: {  	[sflag:s19] =	ssyncset.done $0x0  }
0x24: {  	s3 =	simm.s32 $0x0;
	[sflag:s19] =	ssyncadd.s32 $0xFFFFFE00  }
0x25: {  	s6 =	simm.s32 $0x40;
	v0 =	vld [tilespmem:s3+$0x200]  }
.LBB2_2:
0x26: {  	p0 =	sne.s32 s6, $0x1C0  }
.Ltmp0:
0x27: {  	_ = 	snop;
	(pc) =	sbr.rel @p0 .LBB2_2-.Ltmp0, $3  }
0x28: {  	_ =	sdelay $0x1  }
0x29: {  	s22 =	sshra.s32 s6, $0x2;
	s6 =	sadd.s32 $0x40, s6;
	v1 =	vshrl.u32 v0, $0x4  }
0x2a: {  	v0 =	vld [tilespmem:s22+$0x200];
	[tilespmem:s3+$0x400] =	vst v1;
	s3 =	smov.u32 s22  }
0x2b: {  	_ =	sdelay $0x3  }
0x2c: {  	v0 =	vshrl.u32 v0, $0x4  }
0x2d: {  	[tilespmem:s3+$0x400] =	vst v0;
	s3 =	simm.s32 $0x0  }
0x2e: {  	s6 =	simm.s32 $0x40;
	s22 =	simm.s32 $0x0;
	v0 =	vld [tilespmem:s3+$0x280]  }
.LBB2_4:
0x2f: {  	p0 =	sne.s32 s6, $0x1C0  }
.Ltmp1:
0x30: {  	_ = 	snop;
	(pc) =	sbr.rel @p0 .LBB2_4-.Ltmp1, $3  }
0x31: {  	_ =	sdelay $0x1  }
0x32: {  	s7 =	sshra.s32 s6, $0x2;
	s6 =	sadd.s32 $0x40, s6;
	v1 =	vshrl.u32 v0, $0x4  }
0x33: {  	v0 =	vld [tilespmem:s7+$0x280];
	[tilespmem:s22+$0x480] =	vst v1;
	s22 =	smov.u32 s7  }
0x34: {  	_ =	sdelay $0x3  }
0x35: {  	v0 =	vshrl.u32 v0, $0x4  }
0x36: {  	[tilespmem:s22+$0x480] =	vst v0  }
0x37: {  	s6 =	simm.s32 $0x40;
	v0 =	vld [tilespmem:s3+$0x300]  }
.LBB2_6:
0x38: {  	p0 =	sne.s32 s6, $0x1C0  }
.Ltmp2:
0x39: {  	_ = 	snop;
	(pc) =	sbr.rel @p0 .LBB2_6-.Ltmp2, $3  }
0x3a: {  	_ =	sdelay $0x1  }
0x3b: {  	s7 =	sshra.s32 s6, $0x2;
	s6 =	sadd.s32 $0x40, s6;
	v1 =	vshrl.u32 v0, $0x4  }
0x3c: {  	v0 =	vld [tilespmem:s7+$0x300];
	[tilespmem:s3+$0x500] =	vst v1;
	s3 =	smov.u32 s7  }
0x3d: {  	_ =	sdelay $0x3  }
0x3e: {  	v0 =	vshrl.u32 v0, $0x4  }
0x3f: {  	[tilespmem:s3+$0x500] =	vst v0;
	s3 =	simm.s32 $0x0  }
0x40: {  	s6 =	simm.s32 $0x40;
	v0 =	vld [tilespmem:s3+$0x380]  }
.LBB2_8:
0x41: {  	p0 =	sne.s32 s6, $0x1C0  }
.Ltmp3:
0x42: {  	_ = 	snop;
	(pc) =	sbr.rel @p0 .LBB2_8-.Ltmp3, $3  }
0x43: {  	_ =	sdelay $0x1  }
0x44: {  	s7 =	sshra.s32 s6, $0x2;
	s6 =	sadd.s32 $0x40, s6;
	v1 =	vshrl.u32 v0, $0x4  }
0x45: {  	v0 =	vld [tilespmem:s7+$0x380];
	[tilespmem:s3+$0x580] =	vst v1;
	s3 =	smov.u32 s7  }
0x46: {  	_ =	sdelay $0x3  }
0x47: {  	v0 =	vshrl.u32 v0, $0x4  }
0x48: {  	s22 =	simm.s32 $0x400;
	[tilespmem:s3+$0x580] =	vst v0  }
0x49: {  	[tilespmem:s23], [sflag:$0x1] =	stream.indirect.gather [hbm4b:s4+s20], $0x10, s22, s20, $0xb8;
	[tilespmem:$0x12700] =	vst v63  }
0x4a: {  	_ = 	snop  }
0x4b: {  	[tilespmem:s24], [sflag:$0x1] =	stream.indirect.gather [hbm4b:s5+s20], $0x10, s22, s20, $0xb8;
	[tilespmem:$0x12700] =	vst v63  }
0x4c: {  	_ =	swait.ge [sflag:s25], $0x4000  }
0x4d: {  	[sflag:s25] =	ssyncset.done $0x0  }
0x4e: {  	[sflag:s25] =	ssyncadd.s32 $0xFFFFC000  }
0x4f: {  	_ =	swait.ge [sflag:s25], $0x4000  }
0x50: {  	[sflag:s25] =	ssyncset.done $0x0  }
0x51: {  	[sflag:s25] =	ssyncadd.s32 $0xFFFFC000  }
0x52: {  	_ =	swait.ge [sflag:s25], $0x800  }
0x53: {  	[sflag:s25] =	ssyncset.done $0x0  }
0x54: {  	[sflag:s25] =	ssyncadd.s32 $0xFFFFF800  }
0x55: {  	_ =	swait.ge [sflag:s25], $0x800  }
0x56: {  	[sflag:s25] =	ssyncset.done $0x0  }
0x57: {  	[sflag:s25] =	ssyncadd.s32 $0xFFFFF800  }
0x58: {  	[tilespmem:s26], [sflag:$0x2] =	stream.indirect.gather [hbm4b:s1+s20], $0x80, s20, s20, $0xb8;
	[tilespmem:$0x12700] =	vst v63  }
0x59: {  	s3 =	simm.s32 $0x0  }
0x5a: {  	[tilespmem:s28], [sflag:$0x2] =	stream.linear.gather [hbm4b:s9+s3], $0x4000, $0x38;
	[tilespmem:$0x12700] =	vst v63  }
0x5b: {  	s6 =	simm.s32 $0x480  }
0x5c: {  	[tilespmem:s30], [sflag:$0x2] =	stream.indirect.gather [hbm4b:s4+s20], $0x10, s6, s20, $0xb8;
	[tilespmem:$0x12700] =	vst v63  }
0x5d: {  	s7 =	simm.s32 $0x9600  }
0x5e: {  	[tilespmem:s31], [sflag:$0x2] =	stream.indirect.gather [hbm4b:s5+s20], $0x10, s6, s20, $0xb8;
	[tilespmem:$0x12700] =	vst v63  }
.LBB2_10:
0x5f: {  	s22 =	sshll.u32 s3, $0x4;
	v16 =	vlaneseq.u32  }
0x60: {  	v0 =	vor.u32 s22, v16  }
0x61: {  	v1 =	vadd.s32 $0x1, v16;
	v3 =	vshll.u32 v0, $0x7  }
0x62: {  	v1 =	vand.u32 $0x7F, v1;
	v4 =	vor.u32 v3, v16  }
0x63: {  	v7 =	vor.u32 v3, v1  }
0x64: {  	v2 =	vadd.s32 $0x3, v16  }
0x65: {  	v5 =	vadd.s32 $0x2, v16;
	v1 =	vand.u32 $0x7F, v2  }
0x66: {  	v2 =	vand.u32 $0x7F, v5;
	v8 =	vor.u32 v3, v1;
	v1 =	vadd.s32 $0x5, v16  }
0x67: {  	v2 =	vor.u32 v3, v2;
	v1 =	vand.u32 $0x7F, v1;
	v19 =	vld.idx.msk [tilespmem:v4+s17+$0x0], $0xffff  }
0x68: {  	v9 =	vor.u32 v3, v1;
	v6 =	vld.idx.msk [tilespmem:v7+s17+$0x0], $0xffff  }
0x69: {  	v12 =	vld.idx.msk [tilespmem:v4+s21+$0x0], $0xffff  }
0x6a: {  	v5 =	vadd.s32 $0x7, v16;
	v7 =	vld.idx.msk [tilespmem:v7+s21+$0x0], $0xffff  }
0x6b: {  	v11 =	vand.u32 $0x7F, v5;
	v1 =	vld.idx.msk [tilespmem:v8+s17+$0x0], $0xffff  }
0x6c: {  	v11 =	vor.u32 v3, v11;
	v4 =	vadd.s32 $0x6, v16;
	v13 =	vld.idx.msk [tilespmem:v2+s21+$0x0], $0xffff  }
0x6d: {  	v10 =	vadd.s32 $0x9, v16;
	v14 =	vand.u32 $0x7, v16;
	v4 =	vand.u32 $0x7F, v4;
	v21 =	vld.idx.msk [tilespmem:v9+s17+$0x0], $0xffff  }
0x6e: {  	v17 =	vadd.s32 $0x4, v16;
	v10 =	vand.u32 $0x7F, v10;
	v15 =	vor.u32 v3, v4;
	v9 =	vld.idx.msk [tilespmem:v9+s21+$0x0], $0xffff  }
0x6f: {  	v17 =	vand.u32 $0x7F, v17;
	v10 =	vor.u32 v3, v10;
	v5 =	vld.idx.msk [tilespmem:v2+s17+$0x0], $0xffff;
	v2 =	vadd.s32 $0xD, v16  }
0x70: {  	v17 =	vor.u32 v3, v17;
	v25 =	vld.idx.msk [tilespmem:v8+s21+$0x0], $0xffff;
	v4 =	vadd.s32 $0x8, v16;
	v20 =	vand.u32 $0x7F, v2  }
0x71: {  	v2 =	vld.idx.msk [tilespmem:v11+s17+$0x0], $0xffff;
	v18 =	vand.u32 $0x78, v4;
	v4 =	vadd.s32 $0xA, v16;
	v24 =	vmul.f32 $1.442695020e+00, v7  }
0x72: {  	v11 =	vld.idx.msk [tilespmem:v11+s21+$0x0], $0xffff;
	v20 =	vor.u32 v3, v20;
	v22 =	vand.u32 $0x7F, v4;
	v13 =	vmul.f32 $1.442695020e+00, v13  }
0x73: {  	v14 =	vor.u32 v18, v14;
	v7 =	vld.idx.msk [tilespmem:v15+s17+$0x0], $0xffff;
	(erf) = vpow2.f32 v24;
	v9 =	vmul.f32 $1.442695020e+00, v9  }
0x74: {  	v12 =	vmul.f32 $1.442695020e+00, v12;
	v24 =	vld.idx.msk [tilespmem:v15+s21+$0x0], $0xffff;
	v15 =	vor.u32 v3, v22;
	(erf) = vpow2.f32 v13  }
0x75: {  	v4 =	vld.idx.msk [tilespmem:v10+s17+$0x0], $0xffff;
	v22 =	vor.u32 v3, v14;
	(erf) = vpow2.f32 v9  }
0x76: {  	v23 =	vadd.s32 $0xF, v16;
	v30 =	vadd.s32 $0xE, v16;
	v10 =	vld.idx.msk [tilespmem:v10+s21+$0x0], $0xffff;
	(erf) = vpow2.f32 v12  }
0x77: {  	v23 =	vand.u32 $0x7F, v23;
	v8 =	vmul.f32 $1.442695020e+00, v11;
	v11 =	vld.idx.msk [tilespmem:v17+s17+$0x0], $0xffff;
	v9 =	vadd.s32 $0xB, v16  }
0x78: {  	v18 =	vimm.f32 $0.0e+00;
	v13 =	vor.u32 v3, v23;
	v23 =	vld.idx.msk [tilespmem:v20+s21+$0x0], $0xffff;
	v9 =	vand.u32 $0x7F, v9  }
0x79: {  	v12 =	vadd.s32 $0xC, v16;
	v26 =	vld.idx.msk [tilespmem:v15+s21+$0x0], $0xffff;
	(erf) = vpow2.f32 v8;
	v8 =	vor.u32 v3, v9  }
0x7a: {  	v30 =	vand.u32 $0x7F, v30;
	v9 =	vand.u32 $0x7F, v12;
	v12 =	vadd.f32 v19, v18;
	v27 =	vld.idx.msk [tilespmem:v22+s21+$0x0], $0xffff  }
0x7b: {  	v14 =	vld.idx.msk [tilespmem:v15+s17+$0x0], $0xffff;
	v28 =	vor.u32 v3, v9;
	v9 =	vadd.f32 v6, v18  }
0x7c: {  	v10 =	vmul.f32 $1.442695020e+00, v10;
	v15 =	vld.idx.msk [tilespmem:v22+s17+$0x0], $0xffff;
	v22 =	vor.u32 v3, v30;
	v12 =	vadd.f32 v5, v12;
	v31 =	vpop (erf)  }
0x7d: {  	v29 =	vld.idx.msk [tilespmem:v13+s21+$0x0], $0xffff;
	v23 =	vmul.f32 $1.442695020e+00, v23;
	v9 =	vadd.f32 v1, v9;
	v30 =	vpop (erf)  }
0x7e: {  	(erf) = vpow2.f32 v10;
	v10 =	vmul.f32 $1.442695020e+00, v26;
	v26 =	vadd.f32 v11, v12;
	v32 =	vld.idx.msk [tilespmem:v8+s21+$0x0], $0xffff;
	v33 =	vpop (erf)  }
0x7f: {  	v9 =	vadd.f32 v21, v9;
	v12 =	vld.idx.msk [tilespmem:v8+s17+$0x0], $0xffff;
	(erf) = vpow2.f32 v23;
	v23 =	vmul.f32 $1.442695020e+00, v27;
	v27 =	vpop (erf)  }
0x80: {  	v8 =	vld.idx.msk [tilespmem:v20+s17+$0x0], $0xffff;
	(erf) = vpow2.f32 v10;
	v20 =	vadd.f32 $1.000000000e+00, v27  }
0x81: {  	(erf) = vpow2.f32 v23;
	v23 =	vmul.f32 $1.442695020e+00, v24;
	v24 =	vadd.f32 v2, v9;
	v9 =	vld.idx.msk [tilespmem:v22+s17+$0x0], $0xffff  }
0x82: {  	v27 =	vadd.f32 $1.000000000e+00, v33;
	v62 =	vpop (erf);
	v22 =	vld.idx.msk [tilespmem:v22+s21+$0x0], $0xffff;
	(erf) = vrcp.f32 v20  }
0x83: {  	v17 =	vld.idx.msk [tilespmem:v17+s21+$0x0], $0xffff;
	v32 =	vmul.f32 $1.442695020e+00, v32;
	v20 =	vadd.f32 $1.000000000e+00, v62  }
0x84: {  	v24 =	vadd.f32 v4, v24;
	(erf) = vrcp.f32 v27;
	v27 =	vmul.f32 $1.442695020e+00, v29  }
0x85: {  	v26 =	vadd.f32 v7, v26;
	v10 =	vld.idx.msk [tilespmem:v28+s17+$0x0], $0xffff;
	(erf) = vrcp.f32 v20  }
0x86: {  	v28 =	vld.idx.msk [tilespmem:v28+s21+$0x0], $0xffff;
	v20 =	vadd.f32 v12, v24;
	v24 =	vmul.f32 $1.442695020e+00, v25;
	(erf) = vpow2.f32 v32  }
0x87: {  	v26 =	vadd.f32 v15, v26;
	v63 =	vpop (erf);
	v22 =	vmul.f32 $1.442695020e+00, v22;
	(erf) = vpow2.f32 v27  }
0x88: {  	v29 =	vmul.f32 $1.442695020e+00, v17;
	v27 =	vpop (erf);
	(erf) = vpow2.f32 v24  }
0x89: {  	v16 =	vadd.s32 $0x10, v16;
	v13 =	vld.idx.msk [tilespmem:v13+s17+$0x0], $0xffff;
	v26 =	vadd.f32 v14, v26;
	(erf) = vpow2.f32 v23;
	v23 =	vpop (erf)  }
0x8a: {  	v16 =	vand.u32 $0x7F, v16;
	v23 =	vadd.f32 $1.000000000e+00, v23;
	(erf) = vpow2.f32 v29;
	v24 =	vpop (erf)  }
0x8b: {  	v17 =	vadd.f32 v10, v26;
	v26 =	vmul.f32 $1.442695020e+00, v28;
	(erf) = vpow2.f32 v22;
	v22 =	vpop (erf)  }
0x8c: {  	v20 =	vadd.f32 v8, v20;
	v24 =	vadd.f32 $1.000000000e+00, v24;
	v28 =	vmul.f32 v22, v19  }
0x8d: {  	v25 =	vadd.f32 $1.000000000e+00, v31;
	v17 =	vadd.f32 v9, v17;
	(erf) = vrcp.f32 v23  }
0x8e: {  	v20 =	vadd.f32 v13, v20;
	v29 =	vadd.f32 $1.000000000e+00, v30;
	(erf) = vrcp.f32 v24;
	v23 =	vpop (erf)  }
0x8f: {  	v19 =	vadd.f32 $1.000000000e+00, v63;
	(erf) = vpow2.f32 v26;
	v21 =	vmul.f32 v23, v21;
	v22 =	vpop (erf)  }
0x90: {  	s6 =	simm.s32 $0x0;
	v26 =	vadd.f32 v28, v18;
	v23 =	vadd.f32 $1.000000000e+00, v27;
	(erf) = vrcp.f32 v29;
	v28 =	vpop (erf)  }
.LBB2_11:
0x91: {  	v29 =	vand.u32 $0x7, v16;
	v24 =	vadd.s32 $0xC, v16;
	s6 =	sadd.s32 $0x10, s6;
	(erf) = vrcp.f32 v25;
	v25 =	vpop (erf)  }
0x92: {  	v27 =	vadd.s32 $0x6, v16;
	v30 =	vadd.s32 $0xD, v16;
	p0 =	slt.u32 s6, $0x70;
	v31 =	vpop (erf);
	(erf) = vrcp.f32 v23  }
0x93: {  	v32 =	vadd.s32 $0x2, v16;
	v23 =	vadd.s32 $0x1, v16;
	v33 =	vpop (erf);
	(erf) = vrcp.f32 v19  }
0x94: {  	v38 =	vand.u32 $0x7F, v23;
	v23 =	vadd.s32 $0x3, v16;
	v39 =	vadd.f32 $1.000000000e+00, v31;
	v34 =	vpop (erf)  }
0x95: {  	v35 =	vor.u32 v3, v16;
	v37 =	vadd.s32 $0x9, v16;
	v36 =	vor.u32 v3, v38;
	v19 =	vpop (erf)  }
0x96: {  	v32 =	vand.u32 $0x7F, v32;
	v40 =	vand.u32 $0x7F, v23;
	(erf) = vrcp.f32 v39;
	v31 =	vpop (erf)  }
0x97: {  	v32 =	vor.u32 v3, v32;
	v38 =	vor.u32 v3, v40;
	v39 =	vadd.f32 $1.000000000e+00, v19;
	v23 =	vpop (erf)  }
0x98: {  	v40 =	vadd.s32 $0x4, v16;
	v34 =	vadd.f32 $1.000000000e+00, v34;
	v19 =	vadd.s32 $0x5, v16;
	v41 =	vpop (erf)  }
0x99: {  	v43 =	vadd.s32 $0x8, v16;
	v33 =	vadd.f32 $1.000000000e+00, v33;
	v42 =	vand.u32 $0x7F, v19;
	v44 =	vpop (erf)  }
0x9a: {  	v45 =	vadd.s32 $0x7, v16;
	v42 =	vor.u32 v3, v42;
	v19 =	vld.idx.msk [tilespmem:v35+s17+$0x0], $0xffff;
	v44 =	vmul.f32 v44, v5;
	v5 =	vpop (erf)  }
0x9b: {  	v47 =	vand.u32 $0x7F, v27;
	v45 =	vand.u32 $0x7F, v45;
	v46 =	vld.idx.msk [tilespmem:v36+s17+$0x0], $0xffff;
	(erf) = vrcp.f32 v34;
	v27 =	vpop (erf)  }
0x9c: {  	v43 =	vand.u32 $0x78, v43;
	v45 =	vor.u32 v3, v45;
	v6 =	vmul.f32 v5, v6;
	v34 =	vld.idx.msk [tilespmem:v38+s17+$0x0], $0xffff;
	v48 =	vpop (erf)  }
0x9d: {  	v50 =	vadd.s32 $0xA, v16;
	v37 =	vand.u32 $0x7F, v37;
	v15 =	vmul.f32 v23, v15;
	v5 =	vld.idx.msk [tilespmem:v32+s17+$0x0], $0xffff  }
0x9e: {  	v37 =	vor.u32 v3, v37;
	v31 =	vmul.f32 v31, v14;
	v23 =	vadd.s32 $0xB, v16;
	v35 =	vld.idx.msk [tilespmem:v35+s21+$0x0], $0xffff  }
0x9f: {  	v23 =	vand.u32 $0x7F, v23;
	v14 =	vld.idx.msk [tilespmem:v36+s21+$0x0], $0xffff;
	v36 =	vand.u32 $0x7F, v50;
	v49 =	vpop (erf);
	(erf) = vrcp.f32 v33  }
0xa0: {  	v24 =	vand.u32 $0x7F, v24;
	v18 =	vadd.f32 v6, v18;
	v33 =	vor.u32 v3, v23;
	v32 =	vld.idx.msk [tilespmem:v32+s21+$0x0], $0xffff  }
0xa1: {  	v30 =	vand.u32 $0x7F, v30;
	v24 =	vor.u32 v3, v24;
	v41 =	vadd.f32 $1.000000000e+00, v41;
	v6 =	vmovc v46;
	v23 =	vld.idx.msk [tilespmem:v42+s17+$0x0], $0xffff  }
0xa2: {  	v28 =	vadd.f32 $1.000000000e+00, v28;
	v30 =	vor.u32 v3, v30;
	v46 =	vor.u32 v3, v47;
	v42 =	vld.idx.msk [tilespmem:v42+s21+$0x0], $0xffff  }
0xa3: {  	v26 =	vadd.f32 v44, v26;
	v44 =	vmul.f32 v48, v4;
	v20 =	vadd.f32 v6, v20;
	v47 =	vld.idx.msk [tilespmem:v45+s17+$0x0], $0xffff  }
0xa4: {  	v40 =	vand.u32 $0x7F, v40;
	v48 =	vadd.s32 $0xF, v16;
	v49 =	vmul.f32 v49, v1;
	v1 =	vpop (erf)  }
0xa5: {  	v48 =	vand.u32 $0x7F, v48;
	v14 =	vmul.f32 $1.442695020e+00, v14;
	v4 =	vld.idx.msk [tilespmem:v37+s17+$0x0], $0xffff;
	v11 =	vmul.f32 v1, v11;
	v1 =	vmovc v34  }
0xa6: {  	v29 =	vor.u32 v43, v29;
	v43 =	vor.u32 v3, v48;
	v34 =	vld.idx.msk [tilespmem:v45+s21+$0x0], $0xffff;
	(erf) = vrcp.f32 v41  }
0xa7: {  	v40 =	vor.u32 v3, v40;
	v32 =	vmul.f32 $1.442695020e+00, v32;
	v41 =	vld.idx.msk [tilespmem:v46+s17+$0x0], $0xffff;
	(erf) = vpow2.f32 v14  }
0xa8: {  	v29 =	vor.u32 v3, v29;
	v14 =	vmul.f32 $1.442695020e+00, v42;
	v11 =	vadd.f32 v11, v26;
	v42 =	vld.idx.msk [tilespmem:v46+s21+$0x0], $0xffff;
	v26 =	vpop (erf)  }
0xa9: {  	v18 =	vadd.f32 v49, v18;
	v37 =	vld.idx.msk [tilespmem:v37+s21+$0x0], $0xffff;
	v7 =	vmul.f32 v26, v7;
	(erf) = vrcp.f32 v28  }
0xaa: {  	v26 =	vmul.f32 $1.442695020e+00, v35;
	v28 =	vor.u32 v3, v36;
	v35 =	vld.idx.msk [tilespmem:v30+s21+$0x0], $0xffff;
	(erf) = vpow2.f32 v32  }
0xab: {  	v22 =	vmul.f32 v22, v2;
	v2 =	vmovc v47;
	v32 =	vld.idx.msk [tilespmem:v38+s21+$0x0], $0xffff;
	v38 =	vadd.f32 v7, v11;
	(erf) = vrcp.f32 v39  }
0xac: {  	v17 =	vadd.f32 v19, v17;
	v36 =	vld.idx.msk [tilespmem:v43+s21+$0x0], $0xffff;
	(erf) = vpow2.f32 v14;
	v14 =	vadd.f32 v21, v18  }
0xad: {  	v18 =	vmul.f32 $1.442695020e+00, v34;
	v21 =	vadd.f32 $1.000000000e+00, v25;
	v11 =	vld.idx.msk [tilespmem:v40+s17+$0x0], $0xffff;
	v15 =	vadd.f32 v15, v38;
	v7 =	vmovc v41  }
0xae: {  	v17 =	vadd.f32 v5, v17;
	v25 =	vld.idx.msk [tilespmem:v40+s21+$0x0], $0xffff;
	(erf) = vpow2.f32 v26;
	v22 =	vadd.f32 v22, v14  }
0xaf: {  	v20 =	vadd.f32 v1, v20;
	v26 =	vmul.f32 $1.442695020e+00, v42;
	v34 =	vld.idx.msk [tilespmem:v28+s21+$0x0], $0xffff;
	v38 =	vpop (erf);
	(erf) = vrcp.f32 v21  }
0xb0: {  	v40 =	vmul.f32 $1.442695020e+00, v37;
	v14 =	vld.idx.msk [tilespmem:v28+s17+$0x0], $0xffff;
	v28 =	vadd.s32 $0xE, v16;
	v37 =	vpop (erf);
	v22 =	vadd.f32 v44, v22  }
0xb1: {  	v20 =	vadd.f32 v23, v20;
	v39 =	vld.idx.msk [tilespmem:v29+s21+$0x0], $0xffff;
	(erf) = vpow2.f32 v18;
	v18 =	vadd.f32 v31, v15  }
0xb2: {  	v28 =	vand.u32 $0x7F, v28;
	v15 =	vld.idx.msk [tilespmem:v29+s17+$0x0], $0xffff;
	v29 =	vmul.f32 $1.442695020e+00, v35;
	(erf) = vpow2.f32 v40;
	v21 =	vpop (erf)  }
0xb3: {  	v27 =	vmul.f32 v27, v8;
	v38 =	vmul.f32 v38, v10;
	v28 =	vor.u32 v3, v28;
	v31 =	vld.idx.msk [tilespmem:v33+s17+$0x0], $0xffff;
	v35 =	vpop (erf)  }
0xb4: {  	v17 =	vadd.f32 v11, v17;
	v40 =	vmul.f32 $1.442695020e+00, v25;
	v12 =	vmul.f32 v21, v12;
	v33 =	vld.idx.msk [tilespmem:v33+s21+$0x0], $0xffff;
	v10 =	vpop (erf)  }
0xb5: {  	v25 =	vadd.f32 $1.000000000e+00, v37;
	v41 =	vmul.f32 $1.442695020e+00, v34;
	v8 =	vld.idx.msk [tilespmem:v30+s17+$0x0], $0xffff;
	v30 =	vpop (erf);
	v34 =	vmul.f32 v10, v9  }
0xb6: {  	v20 =	vadd.f32 v2, v20;
	v22 =	vadd.f32 v12, v22;
	v10 =	vld.idx.msk [tilespmem:v24+s17+$0x0], $0xffff;
	(erf) = vpow2.f32 v29  }
0xb7: {  	v18 =	vadd.f32 v38, v18;
	v29 =	vadd.f32 $1.000000000e+00, v30;
	v39 =	vmul.f32 $1.442695020e+00, v39;
	v30 =	vld.idx.msk [tilespmem:v43+s17+$0x0], $0xffff;
	v9 =	vpop (erf)  }
0xb8: {  	v17 =	vadd.f32 v7, v17;
	v37 =	vadd.f32 $1.000000000e+00, v9;
	v9 =	vld.idx.msk [tilespmem:v28+s17+$0x0], $0xffff;
	(erf) = vpow2.f32 v41;
	v21 =	vpop (erf)  }
0xb9: {  	v20 =	vadd.f32 v4, v20;
	v12 =	vmovc v31;
	(erf) = vpow2.f32 v39;
	v13 =	vmul.f32 v21, v13  }
0xba: {  	v17 =	vadd.f32 v15, v17;
	v21 =	vmul.f32 $1.442695020e+00, v33;
	v28 =	vld.idx.msk [tilespmem:v28+s21+$0x0], $0xffff;
	(erf) = vrcp.f32 v37;
	v31 =	vpop (erf)  }
0xbb: {  	v22 =	vadd.f32 v27, v22;
	v31 =	vadd.f32 $1.000000000e+00, v31;
	(erf) = vrcp.f32 v29;
	v29 =	vpop (erf)  }
0xbc: {  	v27 =	vmul.f32 $1.442695020e+00, v36;
	v17 =	vadd.f32 v14, v17;
	v20 =	vadd.f32 v12, v20  }
0xbd: {  	(erf) = vrcp.f32 v31;
	v31 =	vadd.f32 v34, v18;
	v18 =	vadd.f32 v13, v22;
	v13 =	vmovc v30  }
0xbe: {  	v32 =	vmul.f32 $1.442695020e+00, v32;
	v17 =	vadd.f32 v10, v17;
	v24 =	vld.idx.msk [tilespmem:v24+s21+$0x0], $0xffff;
	(erf) = vpow2.f32 v21  }
0xbf: {  	v20 =	vadd.f32 v8, v20;
	v30 =	vpop (erf);
	(erf) = vpow2.f32 v27  }
0xc0: {  	v17 =	vadd.f32 v9, v17;
	v21 =	vmul.f32 $1.442695020e+00, v28;
	(erf) = vpow2.f32 v32  }
0xc1: {  	v20 =	vadd.f32 v13, v20;
	(erf) = vpow2.f32 v26;
	v22 =	vpop (erf)  }
0xc2: {  	v22 =	vadd.f32 $1.000000000e+00, v22;
	(erf) = vpow2.f32 v40;
	v26 =	vpop (erf)  }
.Ltmp4:
0xc3: {  	v27 =	vadd.f32 $1.000000000e+00, v35;
	v26 =	vadd.f32 $1.000000000e+00, v26;
	v28 =	vpop (erf);
	(erf) = vpow2.f32 v21;
	(pc) =	sbr.rel @p0 .LBB2_11-.Ltmp4, $4  }
0xc4: {  	v16 =	vadd.s32 $0x10, v16;
	v24 =	vmul.f32 $1.442695020e+00, v24;
	v21 =	vpop (erf);
	(erf) = vrcp.f32 v22  }
0xc5: {  	v16 =	vand.u32 $0x7F, v16;
	v32 =	vmul.f32 v28, v19;
	(erf) = vrcp.f32 v26  }
0xc6: {  	v19 =	vadd.f32 $1.000000000e+00, v29;
	v21 =	vmul.f32 v21, v23;
	v22 =	vpop (erf);
	(erf) = vpow2.f32 v24  }
0xc7: {  	v23 =	vadd.f32 $1.000000000e+00, v30;
	v26 =	vadd.f32 v32, v31;
	(erf) = vrcp.f32 v27;
	v28 =	vpop (erf)  }
0xc8: {  	v3 =	vpop (erf)  }
0xc9: {  	(erf) = vrcp.f32 v25;
	v16 =	vpop (erf)  }
0xca: {  	v24 =	vpop (erf);
	(erf) = vrcp.f32 v23;
	v16 =	vadd.f32 $1.000000000e+00, v16  }
0xcb: {  	v31 =	vpop (erf);
	(erf) = vrcp.f32 v19  }
0xcc: {  	v32 =	vadd.f32 $1.000000000e+00, v31;
	(erf) = vrcp.f32 v16  }
0xcd: {  	v33 =	vpop (erf)  }
0xce: {  	v34 =	vadd.f32 $1.000000000e+00, v24;
	v35 =	vpop (erf);
	(erf) = vrcp.f32 v32  }
0xcf: {  	v36 =	vpop (erf)  }
0xd0: {  	(erf) = vrcp.f32 v34;
	v37 =	vpop (erf)  }
0xd1: {  	v38 =	vpop (erf);
	v23 =	vadd.f32 $1.000000000e+00, v37  }
0xd2: {  	v28 =	vadd.f32 $1.000000000e+00, v28;
	v27 =	vpop (erf)  }
0xd3: {  	(erf) = vrcp.f32 v23;
	v29 =	vpop (erf)  }
0xd4: {  	v6 =	vmul.f32 v27, v6;
	v39 =	vpop (erf);
	(erf) = vrcp.f32 v28  }
0xd5: {  	v16 =	vadd.f32 $1.000000000e+00, v33;
	v5 =	vmul.f32 v38, v5;
	v40 =	vpop (erf)  }
0xd6: {  	v3 =	vadd.f32 $1.000000000e+00, v3;
	v6 =	vadd.f32 v6, v18;
	v1 =	vmul.f32 v40, v1  }
0xd7: {  	v5 =	vadd.f32 v5, v26;
	(erf) = vrcp.f32 v16;
	v41 =	vpop (erf)  }
0xd8: {  	(erf) = vrcp.f32 v3;
	v11 =	vmul.f32 v41, v11;
	v1 =	vadd.f32 v1, v6  }
0xd9: {  	v2 =	vmul.f32 v22, v2;
	v42 =	vpop (erf)  }
0xda: {  	v44 =	vmul.f32 v42, v7;
	v43 =	vadd.f32 v11, v5;
	v1 =	vadd.f32 v21, v1  }
0xdb: {  	v45 =	vmul.f32 v36, v15  }
0xdc: {  	v4 =	vmul.f32 v39, v4;
	v46 =	vpop (erf);
	v3 =	vadd.f32 v44, v43;
	v1 =	vadd.f32 v2, v1  }
0xdd: {  	v47 =	vmul.f32 v35, v14;
	v48 =	vpop (erf)  }
0xde: {  	v3 =	vadd.f32 v45, v3;
	v1 =	vadd.f32 v4, v1;
	v49 =	vmul.f32 v48, v12  }
0xdf: {  	v50 =	vmul.f32 v29, v8  }
0xe0: {  	v2 =	vmul.f32 v46, v10;
	v51 =	vpop (erf);
	v3 =	vadd.f32 v47, v3;
	v1 =	vadd.f32 v49, v1  }
0xe1: {  	v52 =	vmul.f32 v51, v9;
	v53 =	vpop (erf)  }
0xe2: {  	v2 =	vadd.f32 v2, v3;
	v3 =	vmul.f32 v53, v13;
	v1 =	vadd.f32 v50, v1  }
0xe3: {  	v54 =	vadd.f32 v20, v17  }
0xe4: {  	v2 =	vadd.f32 v52, v2;
	v1 =	vadd.f32 v3, v1;
	_ =	sdelay $0x1  }
0xe5: {  	v3 =	vmul.f32 $5.000000000e-01, v54;
	v1 =	vadd.f32 v1, v2;
	_ =	sdelay $0x1  }
0xe6: {  	v1 =	vsub.f32 v3, v1  }
0xe7: {  	v55 =	vld [tilespmem:s22+$0x200]  }
0xe8: {  	v1 =	vmul.f32 $1.999999960e-02, v1;
	_ =	sdelay $0x1  }
0xe9: {  	v1 =	vmul.f32 $1.442695020e+00, v1;
	_ =	sdelay $0x1  }
0xea: {  	v0 =	vshll.u32 v0, $0x4;
	v56 =	vand.u32 $0xF, v55;
	(erf) = vpow2.f32 v1  }
0xeb: {  	v0 =	vor.u32 v0, v56;
	_ =	sdelay $0x4  }
0xec: {  	v1 =	vld.idx.msk [tilespmem:v0+s23+$0x0], $0xffff;
	_ =	sdelay $0x2  }
0xed: {  	v57 =	vpop (erf)  }
0xee: {  	v2 =	vadd.f32 $1.000000000e+00, v57  }
0xef: {  	v1 =	vmul.f32 $1.442695020e+00, v1  }
0xf0: {  	(erf) = vrcp.f32 v2  }
0xf1: {  	(erf) = vpow2.f32 v1;
	_ =	sdelay $0x5  }
0xf2: {  	v0 =	vld.idx.msk [tilespmem:v0+s24+$0x0], $0xffff;
	_ =	sdelay $0x1  }
0xf3: {  	v58 =	vpop (erf)  }
0xf4: {  	v59 =	vpop (erf)  }
0xf5: {  	v2 =	vadd.f32 $1.000000000e+00, v59  }
0xf6: {  	v0 =	vmul.f32 $1.442695020e+00, v0  }
0xf7: {  	(erf) = vrcp.f32 v2  }
0xf8: {  	(erf) = vpow2.f32 v0;
	_ =	sdelay $0x7  }
0xf9: {  	v60 =	vpop (erf)  }
0xfa: {  	v61 =	vpop (erf)  }
0xfb: {  	v2 =	vadd.f32 $1.000000000e+00, v61;
	_ =	sdelay $0x1  }
0xfc: {  	(erf) = vrcp.f32 v2;
	_ =	sdelay $0x7  }
0xfd: {  	v0 =	vmul.f32 $4.000000060e-01, v60  }
0xfe: {  	v1 =	vsub.f32 $1.000000000e+00, v58;
	v2 =	vpop (erf)  }
0xff: {  	v0 =	vadd.f32 $-4.000000060e-01, v0;
	v2 =	vmul.f32 $4.000000060e-01, v2  }
0x100: {  	v62 =	vsub.f32 $1.000000000e+00, v1  }
0x101: {  	s3 =	sadd.s32 $0x1, s3;
	v0 =	vadd.f32 $1.000000000e+00, v0;
	v2 =	vsub.f32 $4.000000060e-01, v2  }
0x102: {  	p0 =	sne.s32 s3, $0x8  }
.Ltmp5:
0x103: {  	v0 =	vmul.f32 v0, v1;
	v63 =	vmul.f32 v2, v62;
	(pc) =	sbr.rel @p0 .LBB2_10-.Ltmp5, $3  }
0x104: {  	_ = 	snop  }
0x105: {  	v0 =	vadd.f32 v63, v0;
	_ =	sdelay $0x1  }
0x106: {  	[tilespmem:s22+$0x9600] =	vst v0  }
0x107: {  	s3 =	simm.s32 $0x0  }
0x108: {  	[hbm4b:s10+s3] =	stream.linear.scatter [tilespmem:s7], [sflag:$0x3], $0x80, $0x38;
	[tilespmem:$0x12700] =	vst v63  }
0x109: {  	_ =	swait.ge [sflag:s19], $0x4000  }
0x10a: {  	[sflag:s19] =	ssyncset.done $0x0  }
0x10b: {  	[sflag:s19] =	ssyncadd.s32 $0xFFFFC000  }
0x10c: {  	_ =	swait.ge [sflag:s19], $0x4000  }
0x10d: {  	[sflag:s19] =	ssyncset.done $0x0  }
0x10e: {  	[sflag:s19] =	ssyncadd.s32 $0xFFFFC000  }
0x10f: {  	_ =	swait.ge [sflag:s19], $0x800  }
0x110: {  	[sflag:s19] =	ssyncset.done $0x0  }
0x111: {  	[sflag:s19] =	ssyncadd.s32 $0xFFFFF800  }
0x112: {  	_ =	swait.ge [sflag:s19], $0x800  }
0x113: {  	[sflag:s19] =	ssyncset.done $0x0  }
0x114: {  	s6 =	simm.s32 $0x100;
	[sflag:s19] =	ssyncadd.s32 $0xFFFFF800  }
0x115: {  	[tilespmem:s21], [sflag:$0x1] =	stream.indirect.gather [hbm4b:s1+s20], $0x80, s6, s20, $0xb8;
	[tilespmem:$0x12700] =	vst v63  }
0x116: {  	_ = 	snop  }
0x117: {  	[tilespmem:s17], [sflag:$0x1] =	stream.linear.gather [hbm4b:s11+s3], $0x4000, $0x38;
	[tilespmem:$0x12700] =	vst v63  }
0x118: {  	s22 =	simm.s32 $0x500  }
0x119: {  	[tilespmem:s23], [sflag:$0x1] =	stream.indirect.gather [hbm4b:s4+s20], $0x10, s22, s20, $0xb8;
	[tilespmem:$0x12700] =	vst v63  }
0x11a: {  	_ = 	snop  }
0x11b: {  	[tilespmem:s24], [sflag:$0x1] =	stream.indirect.gather [hbm4b:s5+s20], $0x10, s22, s20, $0xb8;
	[tilespmem:$0x12700] =	vst v63  }
.LBB2_14:
0x11c: {  	s22 =	sshll.u32 s3, $0x4;
	v16 =	vlaneseq.u32  }
0x11d: {  	v0 =	vor.u32 s22, v16  }
0x11e: {  	v1 =	vadd.s32 $0x1, v16;
	v3 =	vshll.u32 v0, $0x7  }
0x11f: {  	v1 =	vand.u32 $0x7F, v1;
	v4 =	vor.u32 v3, v16  }
0x120: {  	v7 =	vor.u32 v3, v1  }
0x121: {  	v2 =	vadd.s32 $0x3, v16  }
0x122: {  	v5 =	vadd.s32 $0x2, v16;
	v1 =	vand.u32 $0x7F, v2  }
0x123: {  	v2 =	vand.u32 $0x7F, v5;
	v8 =	vor.u32 v3, v1;
	v1 =	vadd.s32 $0x5, v16  }
0x124: {  	v2 =	vor.u32 v3, v2;
	v1 =	vand.u32 $0x7F, v1;
	v19 =	vld.idx.msk [tilespmem:v4+s28+$0x0], $0xffff  }
0x125: {  	v9 =	vor.u32 v3, v1;
	v6 =	vld.idx.msk [tilespmem:v7+s28+$0x0], $0xffff  }
0x126: {  	v12 =	vld.idx.msk [tilespmem:v4+s26+$0x0], $0xffff  }
0x127: {  	v5 =	vadd.s32 $0x7, v16;
	v7 =	vld.idx.msk [tilespmem:v7+s26+$0x0], $0xffff  }
0x128: {  	v11 =	vand.u32 $0x7F, v5;
	v1 =	vld.idx.msk [tilespmem:v8+s28+$0x0], $0xffff  }
0x129: {  	v11 =	vor.u32 v3, v11;
	v4 =	vadd.s32 $0x6, v16;
	v13 =	vld.idx.msk [tilespmem:v2+s26+$0x0], $0xffff  }
0x12a: {  	v10 =	vadd.s32 $0x9, v16;
	v14 =	vand.u32 $0x7, v16;
	v4 =	vand.u32 $0x7F, v4;
	v21 =	vld.idx.msk [tilespmem:v9+s28+$0x0], $0xffff  }
0x12b: {  	v17 =	vadd.s32 $0x4, v16;
	v10 =	vand.u32 $0x7F, v10;
	v15 =	vor.u32 v3, v4;
	v9 =	vld.idx.msk [tilespmem:v9+s26+$0x0], $0xffff  }
0x12c: {  	v17 =	vand.u32 $0x7F, v17;
	v10 =	vor.u32 v3, v10;
	v5 =	vld.idx.msk [tilespmem:v2+s28+$0x0], $0xffff;
	v2 =	vadd.s32 $0xD, v16  }
0x12d: {  	v17 =	vor.u32 v3, v17;
	v25 =	vld.idx.msk [tilespmem:v8+s26+$0x0], $0xffff;
	v4 =	vadd.s32 $0x8, v16;
	v20 =	vand.u32 $0x7F, v2  }
0x12e: {  	v2 =	vld.idx.msk [tilespmem:v11+s28+$0x0], $0xffff;
	v18 =	vand.u32 $0x78, v4;
	v4 =	vadd.s32 $0xA, v16;
	v24 =	vmul.f32 $1.442695020e+00, v7  }
0x12f: {  	v11 =	vld.idx.msk [tilespmem:v11+s26+$0x0], $0xffff;
	v20 =	vor.u32 v3, v20;
	v22 =	vand.u32 $0x7F, v4;
	v13 =	vmul.f32 $1.442695020e+00, v13  }
0x130: {  	v14 =	vor.u32 v18, v14;
	v7 =	vld.idx.msk [tilespmem:v15+s28+$0x0], $0xffff;
	(erf) = vpow2.f32 v24;
	v9 =	vmul.f32 $1.442695020e+00, v9  }
0x131: {  	v12 =	vmul.f32 $1.442695020e+00, v12;
	v24 =	vld.idx.msk [tilespmem:v15+s26+$0x0], $0xffff;
	v15 =	vor.u32 v3, v22;
	(erf) = vpow2.f32 v13  }
0x132: {  	v4 =	vld.idx.msk [tilespmem:v10+s28+$0x0], $0xffff;
	v22 =	vor.u32 v3, v14;
	(erf) = vpow2.f32 v9  }
0x133: {  	v23 =	vadd.s32 $0xF, v16;
	v30 =	vadd.s32 $0xE, v16;
	v10 =	vld.idx.msk [tilespmem:v10+s26+$0x0], $0xffff;
	(erf) = vpow2.f32 v12  }
0x134: {  	v23 =	vand.u32 $0x7F, v23;
	v8 =	vmul.f32 $1.442695020e+00, v11;
	v11 =	vld.idx.msk [tilespmem:v17+s28+$0x0], $0xffff;
	v9 =	vadd.s32 $0xB, v16  }
0x135: {  	v18 =	vimm.f32 $0.0e+00;
	v13 =	vor.u32 v3, v23;
	v23 =	vld.idx.msk [tilespmem:v20+s26+$0x0], $0xffff;
	v9 =	vand.u32 $0x7F, v9  }
0x136: {  	v12 =	vadd.s32 $0xC, v16;
	v26 =	vld.idx.msk [tilespmem:v15+s26+$0x0], $0xffff;
	(erf) = vpow2.f32 v8;
	v8 =	vor.u32 v3, v9  }
0x137: {  	v30 =	vand.u32 $0x7F, v30;
	v9 =	vand.u32 $0x7F, v12;
	v12 =	vadd.f32 v19, v18;
	v27 =	vld.idx.msk [tilespmem:v22+s26+$0x0], $0xffff  }
0x138: {  	v14 =	vld.idx.msk [tilespmem:v15+s28+$0x0], $0xffff;
	v28 =	vor.u32 v3, v9;
	v9 =	vadd.f32 v6, v18  }
0x139: {  	v10 =	vmul.f32 $1.442695020e+00, v10;
	v15 =	vld.idx.msk [tilespmem:v22+s28+$0x0], $0xffff;
	v22 =	vor.u32 v3, v30;
	v12 =	vadd.f32 v5, v12;
	v31 =	vpop (erf)  }
0x13a: {  	v29 =	vld.idx.msk [tilespmem:v13+s26+$0x0], $0xffff;
	v23 =	vmul.f32 $1.442695020e+00, v23;
	v9 =	vadd.f32 v1, v9;
	v30 =	vpop (erf)  }
0x13b: {  	(erf) = vpow2.f32 v10;
	v10 =	vmul.f32 $1.442695020e+00, v26;
	v26 =	vadd.f32 v11, v12;
	v32 =	vld.idx.msk [tilespmem:v8+s26+$0x0], $0xffff;
	v33 =	vpop (erf)  }
0x13c: {  	v9 =	vadd.f32 v21, v9;
	v12 =	vld.idx.msk [tilespmem:v8+s28+$0x0], $0xffff;
	(erf) = vpow2.f32 v23;
	v23 =	vmul.f32 $1.442695020e+00, v27;
	v27 =	vpop (erf)  }
0x13d: {  	v8 =	vld.idx.msk [tilespmem:v20+s28+$0x0], $0xffff;
	(erf) = vpow2.f32 v10;
	v20 =	vadd.f32 $1.000000000e+00, v27  }
0x13e: {  	(erf) = vpow2.f32 v23;
	v23 =	vmul.f32 $1.442695020e+00, v24;
	v24 =	vadd.f32 v2, v9;
	v9 =	vld.idx.msk [tilespmem:v22+s28+$0x0], $0xffff  }
0x13f: {  	v27 =	vadd.f32 $1.000000000e+00, v33;
	v62 =	vpop (erf);
	v22 =	vld.idx.msk [tilespmem:v22+s26+$0x0], $0xffff;
	(erf) = vrcp.f32 v20  }
0x140: {  	v17 =	vld.idx.msk [tilespmem:v17+s26+$0x0], $0xffff;
	v32 =	vmul.f32 $1.442695020e+00, v32;
	v20 =	vadd.f32 $1.000000000e+00, v62  }
0x141: {  	v24 =	vadd.f32 v4, v24;
	(erf) = vrcp.f32 v27;
	v27 =	vmul.f32 $1.442695020e+00, v29  }
0x142: {  	v26 =	vadd.f32 v7, v26;
	v10 =	vld.idx.msk [tilespmem:v28+s28+$0x0], $0xffff;
	(erf) = vrcp.f32 v20  }
0x143: {  	v28 =	vld.idx.msk [tilespmem:v28+s26+$0x0], $0xffff;
	v20 =	vadd.f32 v12, v24;
	v24 =	vmul.f32 $1.442695020e+00, v25;
	(erf) = vpow2.f32 v32  }
0x144: {  	v26 =	vadd.f32 v15, v26;
	v63 =	vpop (erf);
	v22 =	vmul.f32 $1.442695020e+00, v22;
	(erf) = vpow2.f32 v27  }
0x145: {  	v29 =	vmul.f32 $1.442695020e+00, v17;
	v27 =	vpop (erf);
	(erf) = vpow2.f32 v24  }
0x146: {  	v16 =	vadd.s32 $0x10, v16;
	v13 =	vld.idx.msk [tilespmem:v13+s28+$0x0], $0xffff;
	v26 =	vadd.f32 v14, v26;
	(erf) = vpow2.f32 v23;
	v23 =	vpop (erf)  }
0x147: {  	v16 =	vand.u32 $0x7F, v16;
	v23 =	vadd.f32 $1.000000000e+00, v23;
	(erf) = vpow2.f32 v29;
	v24 =	vpop (erf)  }
0x148: {  	v17 =	vadd.f32 v10, v26;
	v26 =	vmul.f32 $1.442695020e+00, v28;
	(erf) = vpow2.f32 v22;
	v22 =	vpop (erf)  }
0x149: {  	v20 =	vadd.f32 v8, v20;
	v24 =	vadd.f32 $1.000000000e+00, v24;
	v28 =	vmul.f32 v22, v19  }
0x14a: {  	v25 =	vadd.f32 $1.000000000e+00, v31;
	v17 =	vadd.f32 v9, v17;
	(erf) = vrcp.f32 v23  }
0x14b: {  	v20 =	vadd.f32 v13, v20;
	v29 =	vadd.f32 $1.000000000e+00, v30;
	(erf) = vrcp.f32 v24;
	v23 =	vpop (erf)  }
0x14c: {  	v19 =	vadd.f32 $1.000000000e+00, v63;
	(erf) = vpow2.f32 v26;
	v21 =	vmul.f32 v23, v21;
	v22 =	vpop (erf)  }
0x14d: {  	s6 =	simm.s32 $0x0;
	v26 =	vadd.f32 v28, v18;
	v23 =	vadd.f32 $1.000000000e+00, v27;
	(erf) = vrcp.f32 v29;
	v28 =	vpop (erf)  }
.LBB2_15:
0x14e: {  	v29 =	vand.u32 $0x7, v16;
	v24 =	vadd.s32 $0xC, v16;
	s6 =	sadd.s32 $0x10, s6;
	(erf) = vrcp.f32 v25;
	v25 =	vpop (erf)  }
0x14f: {  	v27 =	vadd.s32 $0x6, v16;
	v30 =	vadd.s32 $0xD, v16;
	p0 =	slt.u32 s6, $0x70;
	v31 =	vpop (erf);
	(erf) = vrcp.f32 v23  }
0x150: {  	v32 =	vadd.s32 $0x2, v16;
	v23 =	vadd.s32 $0x1, v16;
	v33 =	vpop (erf);
	(erf) = vrcp.f32 v19  }
0x151: {  	v38 =	vand.u32 $0x7F, v23;
	v23 =	vadd.s32 $0x3, v16;
	v39 =	vadd.f32 $1.000000000e+00, v31;
	v34 =	vpop (erf)  }
0x152: {  	v35 =	vor.u32 v3, v16;
	v37 =	vadd.s32 $0x9, v16;
	v36 =	vor.u32 v3, v38;
	v19 =	vpop (erf)  }
0x153: {  	v32 =	vand.u32 $0x7F, v32;
	v40 =	vand.u32 $0x7F, v23;
	(erf) = vrcp.f32 v39;
	v31 =	vpop (erf)  }
0x154: {  	v32 =	vor.u32 v3, v32;
	v38 =	vor.u32 v3, v40;
	v39 =	vadd.f32 $1.000000000e+00, v19;
	v23 =	vpop (erf)  }
0x155: {  	v40 =	vadd.s32 $0x4, v16;
	v34 =	vadd.f32 $1.000000000e+00, v34;
	v19 =	vadd.s32 $0x5, v16;
	v41 =	vpop (erf)  }
0x156: {  	v43 =	vadd.s32 $0x8, v16;
	v33 =	vadd.f32 $1.000000000e+00, v33;
	v42 =	vand.u32 $0x7F, v19;
	v44 =	vpop (erf)  }
0x157: {  	v45 =	vadd.s32 $0x7, v16;
	v42 =	vor.u32 v3, v42;
	v19 =	vld.idx.msk [tilespmem:v35+s28+$0x0], $0xffff;
	v44 =	vmul.f32 v44, v5;
	v5 =	vpop (erf)  }
0x158: {  	v47 =	vand.u32 $0x7F, v27;
	v45 =	vand.u32 $0x7F, v45;
	v46 =	vld.idx.msk [tilespmem:v36+s28+$0x0], $0xffff;
	(erf) = vrcp.f32 v34;
	v27 =	vpop (erf)  }
0x159: {  	v43 =	vand.u32 $0x78, v43;
	v45 =	vor.u32 v3, v45;
	v6 =	vmul.f32 v5, v6;
	v34 =	vld.idx.msk [tilespmem:v38+s28+$0x0], $0xffff;
	v48 =	vpop (erf)  }
0x15a: {  	v50 =	vadd.s32 $0xA, v16;
	v37 =	vand.u32 $0x7F, v37;
	v15 =	vmul.f32 v23, v15;
	v5 =	vld.idx.msk [tilespmem:v32+s28+$0x0], $0xffff  }
0x15b: {  	v37 =	vor.u32 v3, v37;
	v31 =	vmul.f32 v31, v14;
	v23 =	vadd.s32 $0xB, v16;
	v35 =	vld.idx.msk [tilespmem:v35+s26+$0x0], $0xffff  }
0x15c: {  	v23 =	vand.u32 $0x7F, v23;
	v14 =	vld.idx.msk [tilespmem:v36+s26+$0x0], $0xffff;
	v36 =	vand.u32 $0x7F, v50;
	v49 =	vpop (erf);
	(erf) = vrcp.f32 v33  }
0x15d: {  	v24 =	vand.u32 $0x7F, v24;
	v18 =	vadd.f32 v6, v18;
	v33 =	vor.u32 v3, v23;
	v32 =	vld.idx.msk [tilespmem:v32+s26+$0x0], $0xffff  }
0x15e: {  	v30 =	vand.u32 $0x7F, v30;
	v24 =	vor.u32 v3, v24;
	v41 =	vadd.f32 $1.000000000e+00, v41;
	v6 =	vmovc v46;
	v23 =	vld.idx.msk [tilespmem:v42+s28+$0x0], $0xffff  }
0x15f: {  	v28 =	vadd.f32 $1.000000000e+00, v28;
	v30 =	vor.u32 v3, v30;
	v46 =	vor.u32 v3, v47;
	v42 =	vld.idx.msk [tilespmem:v42+s26+$0x0], $0xffff  }
0x160: {  	v26 =	vadd.f32 v44, v26;
	v44 =	vmul.f32 v48, v4;
	v20 =	vadd.f32 v6, v20;
	v47 =	vld.idx.msk [tilespmem:v45+s28+$0x0], $0xffff  }
0x161: {  	v40 =	vand.u32 $0x7F, v40;
	v48 =	vadd.s32 $0xF, v16;
	v49 =	vmul.f32 v49, v1;
	v1 =	vpop (erf)  }
0x162: {  	v48 =	vand.u32 $0x7F, v48;
	v14 =	vmul.f32 $1.442695020e+00, v14;
	v4 =	vld.idx.msk [tilespmem:v37+s28+$0x0], $0xffff;
	v11 =	vmul.f32 v1, v11;
	v1 =	vmovc v34  }
0x163: {  	v29 =	vor.u32 v43, v29;
	v43 =	vor.u32 v3, v48;
	v34 =	vld.idx.msk [tilespmem:v45+s26+$0x0], $0xffff;
	(erf) = vrcp.f32 v41  }
0x164: {  	v40 =	vor.u32 v3, v40;
	v32 =	vmul.f32 $1.442695020e+00, v32;
	v41 =	vld.idx.msk [tilespmem:v46+s28+$0x0], $0xffff;
	(erf) = vpow2.f32 v14  }
0x165: {  	v29 =	vor.u32 v3, v29;
	v14 =	vmul.f32 $1.442695020e+00, v42;
	v11 =	vadd.f32 v11, v26;
	v42 =	vld.idx.msk [tilespmem:v46+s26+$0x0], $0xffff;
	v26 =	vpop (erf)  }
0x166: {  	v18 =	vadd.f32 v49, v18;
	v37 =	vld.idx.msk [tilespmem:v37+s26+$0x0], $0xffff;
	v7 =	vmul.f32 v26, v7;
	(erf) = vrcp.f32 v28  }
0x167: {  	v26 =	vmul.f32 $1.442695020e+00, v35;
	v28 =	vor.u32 v3, v36;
	v35 =	vld.idx.msk [tilespmem:v30+s26+$0x0], $0xffff;
	(erf) = vpow2.f32 v32  }
0x168: {  	v22 =	vmul.f32 v22, v2;
	v2 =	vmovc v47;
	v32 =	vld.idx.msk [tilespmem:v38+s26+$0x0], $0xffff;
	v38 =	vadd.f32 v7, v11;
	(erf) = vrcp.f32 v39  }
0x169: {  	v17 =	vadd.f32 v19, v17;
	v36 =	vld.idx.msk [tilespmem:v43+s26+$0x0], $0xffff;
	(erf) = vpow2.f32 v14;
	v14 =	vadd.f32 v21, v18  }
0x16a: {  	v18 =	vmul.f32 $1.442695020e+00, v34;
	v21 =	vadd.f32 $1.000000000e+00, v25;
	v11 =	vld.idx.msk [tilespmem:v40+s28+$0x0], $0xffff;
	v15 =	vadd.f32 v15, v38;
	v7 =	vmovc v41  }
0x16b: {  	v17 =	vadd.f32 v5, v17;
	v25 =	vld.idx.msk [tilespmem:v40+s26+$0x0], $0xffff;
	(erf) = vpow2.f32 v26;
	v22 =	vadd.f32 v22, v14  }
0x16c: {  	v20 =	vadd.f32 v1, v20;
	v26 =	vmul.f32 $1.442695020e+00, v42;
	v34 =	vld.idx.msk [tilespmem:v28+s26+$0x0], $0xffff;
	v38 =	vpop (erf);
	(erf) = vrcp.f32 v21  }
0x16d: {  	v40 =	vmul.f32 $1.442695020e+00, v37;
	v14 =	vld.idx.msk [tilespmem:v28+s28+$0x0], $0xffff;
	v28 =	vadd.s32 $0xE, v16;
	v37 =	vpop (erf);
	v22 =	vadd.f32 v44, v22  }
0x16e: {  	v20 =	vadd.f32 v23, v20;
	v39 =	vld.idx.msk [tilespmem:v29+s26+$0x0], $0xffff;
	(erf) = vpow2.f32 v18;
	v18 =	vadd.f32 v31, v15  }
0x16f: {  	v28 =	vand.u32 $0x7F, v28;
	v15 =	vld.idx.msk [tilespmem:v29+s28+$0x0], $0xffff;
	v29 =	vmul.f32 $1.442695020e+00, v35;
	(erf) = vpow2.f32 v40;
	v21 =	vpop (erf)  }
0x170: {  	v27 =	vmul.f32 v27, v8;
	v38 =	vmul.f32 v38, v10;
	v28 =	vor.u32 v3, v28;
	v31 =	vld.idx.msk [tilespmem:v33+s28+$0x0], $0xffff;
	v35 =	vpop (erf)  }
0x171: {  	v17 =	vadd.f32 v11, v17;
	v40 =	vmul.f32 $1.442695020e+00, v25;
	v12 =	vmul.f32 v21, v12;
	v33 =	vld.idx.msk [tilespmem:v33+s26+$0x0], $0xffff;
	v10 =	vpop (erf)  }
0x172: {  	v25 =	vadd.f32 $1.000000000e+00, v37;
	v41 =	vmul.f32 $1.442695020e+00, v34;
	v8 =	vld.idx.msk [tilespmem:v30+s28+$0x0], $0xffff;
	v30 =	vpop (erf);
	v34 =	vmul.f32 v10, v9  }
0x173: {  	v20 =	vadd.f32 v2, v20;
	v22 =	vadd.f32 v12, v22;
	v10 =	vld.idx.msk [tilespmem:v24+s28+$0x0], $0xffff;
	(erf) = vpow2.f32 v29  }
0x174: {  	v18 =	vadd.f32 v38, v18;
	v29 =	vadd.f32 $1.000000000e+00, v30;
	v39 =	vmul.f32 $1.442695020e+00, v39;
	v30 =	vld.idx.msk [tilespmem:v43+s28+$0x0], $0xffff;
	v9 =	vpop (erf)  }
0x175: {  	v17 =	vadd.f32 v7, v17;
	v37 =	vadd.f32 $1.000000000e+00, v9;
	v9 =	vld.idx.msk [tilespmem:v28+s28+$0x0], $0xffff;
	(erf) = vpow2.f32 v41;
	v21 =	vpop (erf)  }
0x176: {  	v20 =	vadd.f32 v4, v20;
	v12 =	vmovc v31;
	(erf) = vpow2.f32 v39;
	v13 =	vmul.f32 v21, v13  }
0x177: {  	v17 =	vadd.f32 v15, v17;
	v21 =	vmul.f32 $1.442695020e+00, v33;
	v28 =	vld.idx.msk [tilespmem:v28+s26+$0x0], $0xffff;
	(erf) = vrcp.f32 v37;
	v31 =	vpop (erf)  }
0x178: {  	v22 =	vadd.f32 v27, v22;
	v31 =	vadd.f32 $1.000000000e+00, v31;
	(erf) = vrcp.f32 v29;
	v29 =	vpop (erf)  }
0x179: {  	v27 =	vmul.f32 $1.442695020e+00, v36;
	v17 =	vadd.f32 v14, v17;
	v20 =	vadd.f32 v12, v20  }
0x17a: {  	(erf) = vrcp.f32 v31;
	v31 =	vadd.f32 v34, v18;
	v18 =	vadd.f32 v13, v22;
	v13 =	vmovc v30  }
0x17b: {  	v32 =	vmul.f32 $1.442695020e+00, v32;
	v17 =	vadd.f32 v10, v17;
	v24 =	vld.idx.msk [tilespmem:v24+s26+$0x0], $0xffff;
	(erf) = vpow2.f32 v21  }
0x17c: {  	v20 =	vadd.f32 v8, v20;
	v30 =	vpop (erf);
	(erf) = vpow2.f32 v27  }
0x17d: {  	v17 =	vadd.f32 v9, v17;
	v21 =	vmul.f32 $1.442695020e+00, v28;
	(erf) = vpow2.f32 v32  }
0x17e: {  	v20 =	vadd.f32 v13, v20;
	(erf) = vpow2.f32 v26;
	v22 =	vpop (erf)  }
0x17f: {  	v22 =	vadd.f32 $1.000000000e+00, v22;
	(erf) = vpow2.f32 v40;
	v26 =	vpop (erf)  }
.Ltmp6:
0x180: {  	v27 =	vadd.f32 $1.000000000e+00, v35;
	v26 =	vadd.f32 $1.000000000e+00, v26;
	v28 =	vpop (erf);
	(erf) = vpow2.f32 v21;
	(pc) =	sbr.rel @p0 .LBB2_15-.Ltmp6, $4  }
0x181: {  	v16 =	vadd.s32 $0x10, v16;
	v24 =	vmul.f32 $1.442695020e+00, v24;
	v21 =	vpop (erf);
	(erf) = vrcp.f32 v22  }
0x182: {  	v16 =	vand.u32 $0x7F, v16;
	v32 =	vmul.f32 v28, v19;
	(erf) = vrcp.f32 v26  }
0x183: {  	v19 =	vadd.f32 $1.000000000e+00, v29;
	v21 =	vmul.f32 v21, v23;
	v22 =	vpop (erf);
	(erf) = vpow2.f32 v24  }
0x184: {  	v23 =	vadd.f32 $1.000000000e+00, v30;
	v26 =	vadd.f32 v32, v31;
	(erf) = vrcp.f32 v27;
	v28 =	vpop (erf)  }
0x185: {  	v3 =	vpop (erf)  }
0x186: {  	(erf) = vrcp.f32 v25;
	v16 =	vpop (erf)  }
0x187: {  	v24 =	vpop (erf);
	(erf) = vrcp.f32 v23;
	v16 =	vadd.f32 $1.000000000e+00, v16  }
0x188: {  	v31 =	vpop (erf);
	(erf) = vrcp.f32 v19  }
0x189: {  	v32 =	vadd.f32 $1.000000000e+00, v31;
	(erf) = vrcp.f32 v16  }
0x18a: {  	v33 =	vpop (erf)  }
0x18b: {  	v34 =	vadd.f32 $1.000000000e+00, v24;
	v35 =	vpop (erf);
	(erf) = vrcp.f32 v32  }
0x18c: {  	v36 =	vpop (erf)  }
0x18d: {  	(erf) = vrcp.f32 v34;
	v37 =	vpop (erf)  }
0x18e: {  	v38 =	vpop (erf);
	v23 =	vadd.f32 $1.000000000e+00, v37  }
0x18f: {  	v28 =	vadd.f32 $1.000000000e+00, v28;
	v27 =	vpop (erf)  }
0x190: {  	(erf) = vrcp.f32 v23;
	v29 =	vpop (erf)  }
0x191: {  	v6 =	vmul.f32 v27, v6;
	v39 =	vpop (erf);
	(erf) = vrcp.f32 v28  }
0x192: {  	v16 =	vadd.f32 $1.000000000e+00, v33;
	v5 =	vmul.f32 v38, v5;
	v40 =	vpop (erf)  }
0x193: {  	v3 =	vadd.f32 $1.000000000e+00, v3;
	v6 =	vadd.f32 v6, v18;
	v1 =	vmul.f32 v40, v1  }
0x194: {  	v5 =	vadd.f32 v5, v26;
	(erf) = vrcp.f32 v16;
	v41 =	vpop (erf)  }
0x195: {  	(erf) = vrcp.f32 v3;
	v11 =	vmul.f32 v41, v11;
	v1 =	vadd.f32 v1, v6  }
0x196: {  	v2 =	vmul.f32 v22, v2;
	v42 =	vpop (erf)  }
0x197: {  	v44 =	vmul.f32 v42, v7;
	v43 =	vadd.f32 v11, v5;
	v1 =	vadd.f32 v21, v1  }
0x198: {  	v45 =	vmul.f32 v36, v15  }
0x199: {  	v4 =	vmul.f32 v39, v4;
	v46 =	vpop (erf);
	v3 =	vadd.f32 v44, v43;
	v1 =	vadd.f32 v2, v1  }
0x19a: {  	v47 =	vmul.f32 v35, v14;
	v48 =	vpop (erf)  }
0x19b: {  	v3 =	vadd.f32 v45, v3;
	v1 =	vadd.f32 v4, v1;
	v49 =	vmul.f32 v48, v12  }
0x19c: {  	v50 =	vmul.f32 v29, v8  }
0x19d: {  	v2 =	vmul.f32 v46, v10;
	v51 =	vpop (erf);
	v3 =	vadd.f32 v47, v3;
	v1 =	vadd.f32 v49, v1  }
0x19e: {  	v52 =	vmul.f32 v51, v9;
	v53 =	vpop (erf)  }
0x19f: {  	v2 =	vadd.f32 v2, v3;
	v3 =	vmul.f32 v53, v13;
	v1 =	vadd.f32 v50, v1  }
0x1a0: {  	v54 =	vadd.f32 v20, v17  }
0x1a1: {  	v2 =	vadd.f32 v52, v2;
	v1 =	vadd.f32 v3, v1;
	_ =	sdelay $0x1  }
0x1a2: {  	v3 =	vmul.f32 $5.000000000e-01, v54;
	v1 =	vadd.f32 v1, v2;
	_ =	sdelay $0x1  }
0x1a3: {  	v1 =	vsub.f32 v3, v1  }
0x1a4: {  	v55 =	vld [tilespmem:s22+$0x280]  }
0x1a5: {  	v1 =	vmul.f32 $1.999999960e-02, v1;
	_ =	sdelay $0x1  }
0x1a6: {  	v1 =	vmul.f32 $1.442695020e+00, v1;
	_ =	sdelay $0x1  }
0x1a7: {  	v0 =	vshll.u32 v0, $0x4;
	v56 =	vand.u32 $0xF, v55;
	(erf) = vpow2.f32 v1  }
0x1a8: {  	v0 =	vor.u32 v0, v56;
	_ =	sdelay $0x4  }
0x1a9: {  	v1 =	vld.idx.msk [tilespmem:v0+s30+$0x0], $0xffff;
	_ =	sdelay $0x2  }
0x1aa: {  	v57 =	vpop (erf)  }
0x1ab: {  	v2 =	vadd.f32 $1.000000000e+00, v57  }
0x1ac: {  	v1 =	vmul.f32 $1.442695020e+00, v1  }
0x1ad: {  	(erf) = vrcp.f32 v2  }
0x1ae: {  	(erf) = vpow2.f32 v1;
	_ =	sdelay $0x5  }
0x1af: {  	v0 =	vld.idx.msk [tilespmem:v0+s31+$0x0], $0xffff;
	_ =	sdelay $0x1  }
0x1b0: {  	v58 =	vpop (erf)  }
0x1b1: {  	v59 =	vpop (erf)  }
0x1b2: {  	v2 =	vadd.f32 $1.000000000e+00, v59  }
0x1b3: {  	v0 =	vmul.f32 $1.442695020e+00, v0  }
0x1b4: {  	(erf) = vrcp.f32 v2  }
0x1b5: {  	(erf) = vpow2.f32 v0;
	_ =	sdelay $0x7  }
0x1b6: {  	v60 =	vpop (erf)  }
0x1b7: {  	v61 =	vpop (erf)  }
0x1b8: {  	v2 =	vadd.f32 $1.000000000e+00, v61;
	_ =	sdelay $0x1  }
0x1b9: {  	(erf) = vrcp.f32 v2;
	_ =	sdelay $0x7  }
0x1ba: {  	v0 =	vmul.f32 $4.000000060e-01, v60  }
0x1bb: {  	v1 =	vsub.f32 $1.000000000e+00, v58;
	v2 =	vpop (erf)  }
0x1bc: {  	v0 =	vadd.f32 $-4.000000060e-01, v0;
	v2 =	vmul.f32 $4.000000060e-01, v2  }
0x1bd: {  	v62 =	vsub.f32 $1.000000000e+00, v1  }
0x1be: {  	s3 =	sadd.s32 $0x1, s3;
	v0 =	vadd.f32 $1.000000000e+00, v0;
	v2 =	vsub.f32 $4.000000060e-01, v2  }
0x1bf: {  	p0 =	sne.s32 s3, $0x8  }
.Ltmp7:
0x1c0: {  	v0 =	vmul.f32 v0, v1;
	v63 =	vmul.f32 v2, v62;
	(pc) =	sbr.rel @p0 .LBB2_14-.Ltmp7, $3  }
0x1c1: {  	_ = 	snop  }
0x1c2: {  	v0 =	vadd.f32 v63, v0;
	_ =	sdelay $0x1  }
0x1c3: {  	[tilespmem:s22+$0x12680] =	vst v0  }
0x1c4: {  	s3 =	simm.s32 $0x0;
	s6 =	simm.s32 $0x12680  }
0x1c5: {  	[hbm4b:s12+s3] =	stream.linear.scatter [tilespmem:s6], [sflag:$0x4], $0x80, $0x38;
	[tilespmem:$0x12700] =	vst v63  }
0x1c6: {  	_ =	swait.ge [sflag:s25], $0x4000  }
0x1c7: {  	[sflag:s25] =	ssyncset.done $0x0  }
0x1c8: {  	[sflag:s25] =	ssyncadd.s32 $0xFFFFC000  }
0x1c9: {  	_ =	swait.ge [sflag:s25], $0x4000  }
0x1ca: {  	[sflag:s25] =	ssyncset.done $0x0  }
0x1cb: {  	[sflag:s25] =	ssyncadd.s32 $0xFFFFC000  }
0x1cc: {  	_ =	swait.ge [sflag:s25], $0x800  }
0x1cd: {  	[sflag:s25] =	ssyncset.done $0x0  }
0x1ce: {  	[sflag:s25] =	ssyncadd.s32 $0xFFFFF800  }
0x1cf: {  	_ =	swait.ge [sflag:s25], $0x800  }
0x1d0: {  	[sflag:s25] =	ssyncset.done $0x0  }
0x1d1: {  	s22 =	simm.s32 $0x180;
	[sflag:s25] =	ssyncadd.s32 $0xFFFFF800  }
0x1d2: {  	[tilespmem:s26], [sflag:$0x2] =	stream.indirect.gather [hbm4b:s1+s20], $0x80, s22, s20, $0xb8;
	[tilespmem:$0x12700] =	vst v63  }
0x1d3: {  	_ = 	snop  }
0x1d4: {  	[tilespmem:s28], [sflag:$0x2] =	stream.linear.gather [hbm4b:s13+s3], $0x4000, $0x38;
	[tilespmem:$0x12700] =	vst v63  }
0x1d5: {  	s22 =	simm.s32 $0x580  }
0x1d6: {  	[tilespmem:s30], [sflag:$0x2] =	stream.indirect.gather [hbm4b:s4+s20], $0x10, s22, s20, $0xb8;
	[tilespmem:$0x12700] =	vst v63  }
0x1d7: {  	_ = 	snop  }
0x1d8: {  	[tilespmem:s31], [sflag:$0x2] =	stream.indirect.gather [hbm4b:s5+s20], $0x10, s22, s20, $0xb8;
	[tilespmem:$0x12700] =	vst v63  }
0x1d9: {  	_ =	swait.ge [sflag:s29], $0x80  }
0x1da: {  	[sflag:s29] =	ssyncset.done $0x0  }
0x1db: {  	[sflag:s29] =	ssyncadd.s32 $0xFFFFFF80  }
.LBB2_18:
0x1dc: {  	s22 =	sshll.u32 s3, $0x4;
	v16 =	vlaneseq.u32  }
0x1dd: {  	v0 =	vor.u32 s22, v16  }
0x1de: {  	v1 =	vadd.s32 $0x1, v16;
	v3 =	vshll.u32 v0, $0x7  }
0x1df: {  	v1 =	vand.u32 $0x7F, v1;
	v4 =	vor.u32 v3, v16  }
0x1e0: {  	v7 =	vor.u32 v3, v1  }
0x1e1: {  	v2 =	vadd.s32 $0x3, v16  }
0x1e2: {  	v5 =	vadd.s32 $0x2, v16;
	v1 =	vand.u32 $0x7F, v2  }
0x1e3: {  	v2 =	vand.u32 $0x7F, v5;
	v8 =	vor.u32 v3, v1;
	v1 =	vadd.s32 $0x5, v16  }
0x1e4: {  	v2 =	vor.u32 v3, v2;
	v1 =	vand.u32 $0x7F, v1;
	v19 =	vld.idx.msk [tilespmem:v4+s17+$0x0], $0xffff  }
0x1e5: {  	v9 =	vor.u32 v3, v1;
	v6 =	vld.idx.msk [tilespmem:v7+s17+$0x0], $0xffff  }
0x1e6: {  	v12 =	vld.idx.msk [tilespmem:v4+s21+$0x0], $0xffff  }
0x1e7: {  	v5 =	vadd.s32 $0x7, v16;
	v7 =	vld.idx.msk [tilespmem:v7+s21+$0x0], $0xffff  }
0x1e8: {  	v11 =	vand.u32 $0x7F, v5;
	v1 =	vld.idx.msk [tilespmem:v8+s17+$0x0], $0xffff  }
0x1e9: {  	v11 =	vor.u32 v3, v11;
	v4 =	vadd.s32 $0x6, v16;
	v13 =	vld.idx.msk [tilespmem:v2+s21+$0x0], $0xffff  }
0x1ea: {  	v10 =	vadd.s32 $0x9, v16;
	v14 =	vand.u32 $0x7, v16;
	v4 =	vand.u32 $0x7F, v4;
	v21 =	vld.idx.msk [tilespmem:v9+s17+$0x0], $0xffff  }
0x1eb: {  	v17 =	vadd.s32 $0x4, v16;
	v10 =	vand.u32 $0x7F, v10;
	v15 =	vor.u32 v3, v4;
	v9 =	vld.idx.msk [tilespmem:v9+s21+$0x0], $0xffff  }
0x1ec: {  	v17 =	vand.u32 $0x7F, v17;
	v10 =	vor.u32 v3, v10;
	v5 =	vld.idx.msk [tilespmem:v2+s17+$0x0], $0xffff;
	v2 =	vadd.s32 $0xD, v16  }
0x1ed: {  	v17 =	vor.u32 v3, v17;
	v25 =	vld.idx.msk [tilespmem:v8+s21+$0x0], $0xffff;
	v4 =	vadd.s32 $0x8, v16;
	v20 =	vand.u32 $0x7F, v2  }
0x1ee: {  	v2 =	vld.idx.msk [tilespmem:v11+s17+$0x0], $0xffff;
	v18 =	vand.u32 $0x78, v4;
	v4 =	vadd.s32 $0xA, v16;
	v24 =	vmul.f32 $1.442695020e+00, v7  }
0x1ef: {  	v11 =	vld.idx.msk [tilespmem:v11+s21+$0x0], $0xffff;
	v20 =	vor.u32 v3, v20;
	v22 =	vand.u32 $0x7F, v4;
	v13 =	vmul.f32 $1.442695020e+00, v13  }
0x1f0: {  	v14 =	vor.u32 v18, v14;
	v7 =	vld.idx.msk [tilespmem:v15+s17+$0x0], $0xffff;
	(erf) = vpow2.f32 v24;
	v9 =	vmul.f32 $1.442695020e+00, v9  }
0x1f1: {  	v12 =	vmul.f32 $1.442695020e+00, v12;
	v24 =	vld.idx.msk [tilespmem:v15+s21+$0x0], $0xffff;
	v15 =	vor.u32 v3, v22;
	(erf) = vpow2.f32 v13  }
0x1f2: {  	v4 =	vld.idx.msk [tilespmem:v10+s17+$0x0], $0xffff;
	v22 =	vor.u32 v3, v14;
	(erf) = vpow2.f32 v9  }
0x1f3: {  	v23 =	vadd.s32 $0xF, v16;
	v30 =	vadd.s32 $0xE, v16;
	v10 =	vld.idx.msk [tilespmem:v10+s21+$0x0], $0xffff;
	(erf) = vpow2.f32 v12  }
0x1f4: {  	v23 =	vand.u32 $0x7F, v23;
	v8 =	vmul.f32 $1.442695020e+00, v11;
	v11 =	vld.idx.msk [tilespmem:v17+s17+$0x0], $0xffff;
	v9 =	vadd.s32 $0xB, v16  }
0x1f5: {  	v18 =	vimm.f32 $0.0e+00;
	v13 =	vor.u32 v3, v23;
	v23 =	vld.idx.msk [tilespmem:v20+s21+$0x0], $0xffff;
	v9 =	vand.u32 $0x7F, v9  }
0x1f6: {  	v12 =	vadd.s32 $0xC, v16;
	v26 =	vld.idx.msk [tilespmem:v15+s21+$0x0], $0xffff;
	(erf) = vpow2.f32 v8;
	v8 =	vor.u32 v3, v9  }
0x1f7: {  	v30 =	vand.u32 $0x7F, v30;
	v9 =	vand.u32 $0x7F, v12;
	v12 =	vadd.f32 v19, v18;
	v27 =	vld.idx.msk [tilespmem:v22+s21+$0x0], $0xffff  }
0x1f8: {  	v14 =	vld.idx.msk [tilespmem:v15+s17+$0x0], $0xffff;
	v28 =	vor.u32 v3, v9;
	v9 =	vadd.f32 v6, v18  }
0x1f9: {  	v10 =	vmul.f32 $1.442695020e+00, v10;
	v15 =	vld.idx.msk [tilespmem:v22+s17+$0x0], $0xffff;
	v22 =	vor.u32 v3, v30;
	v12 =	vadd.f32 v5, v12;
	v31 =	vpop (erf)  }
0x1fa: {  	v29 =	vld.idx.msk [tilespmem:v13+s21+$0x0], $0xffff;
	v23 =	vmul.f32 $1.442695020e+00, v23;
	v9 =	vadd.f32 v1, v9;
	v30 =	vpop (erf)  }
0x1fb: {  	(erf) = vpow2.f32 v10;
	v10 =	vmul.f32 $1.442695020e+00, v26;
	v26 =	vadd.f32 v11, v12;
	v32 =	vld.idx.msk [tilespmem:v8+s21+$0x0], $0xffff;
	v33 =	vpop (erf)  }
0x1fc: {  	v9 =	vadd.f32 v21, v9;
	v12 =	vld.idx.msk [tilespmem:v8+s17+$0x0], $0xffff;
	(erf) = vpow2.f32 v23;
	v23 =	vmul.f32 $1.442695020e+00, v27;
	v27 =	vpop (erf)  }
0x1fd: {  	v8 =	vld.idx.msk [tilespmem:v20+s17+$0x0], $0xffff;
	(erf) = vpow2.f32 v10;
	v20 =	vadd.f32 $1.000000000e+00, v27  }
0x1fe: {  	(erf) = vpow2.f32 v23;
	v23 =	vmul.f32 $1.442695020e+00, v24;
	v24 =	vadd.f32 v2, v9;
	v9 =	vld.idx.msk [tilespmem:v22+s17+$0x0], $0xffff  }
0x1ff: {  	v27 =	vadd.f32 $1.000000000e+00, v33;
	v62 =	vpop (erf);
	v22 =	vld.idx.msk [tilespmem:v22+s21+$0x0], $0xffff;
	(erf) = vrcp.f32 v20  }
0x200: {  	v17 =	vld.idx.msk [tilespmem:v17+s21+$0x0], $0xffff;
	v32 =	vmul.f32 $1.442695020e+00, v32;
	v20 =	vadd.f32 $1.000000000e+00, v62  }
0x201: {  	v24 =	vadd.f32 v4, v24;
	(erf) = vrcp.f32 v27;
	v27 =	vmul.f32 $1.442695020e+00, v29  }
0x202: {  	v26 =	vadd.f32 v7, v26;
	v10 =	vld.idx.msk [tilespmem:v28+s17+$0x0], $0xffff;
	(erf) = vrcp.f32 v20  }
0x203: {  	v28 =	vld.idx.msk [tilespmem:v28+s21+$0x0], $0xffff;
	v20 =	vadd.f32 v12, v24;
	v24 =	vmul.f32 $1.442695020e+00, v25;
	(erf) = vpow2.f32 v32  }
0x204: {  	v26 =	vadd.f32 v15, v26;
	v63 =	vpop (erf);
	v22 =	vmul.f32 $1.442695020e+00, v22;
	(erf) = vpow2.f32 v27  }
0x205: {  	v29 =	vmul.f32 $1.442695020e+00, v17;
	v27 =	vpop (erf);
	(erf) = vpow2.f32 v24  }
0x206: {  	v16 =	vadd.s32 $0x10, v16;
	v13 =	vld.idx.msk [tilespmem:v13+s17+$0x0], $0xffff;
	v26 =	vadd.f32 v14, v26;
	(erf) = vpow2.f32 v23;
	v23 =	vpop (erf)  }
0x207: {  	v16 =	vand.u32 $0x7F, v16;
	v23 =	vadd.f32 $1.000000000e+00, v23;
	(erf) = vpow2.f32 v29;
	v24 =	vpop (erf)  }
0x208: {  	v17 =	vadd.f32 v10, v26;
	v26 =	vmul.f32 $1.442695020e+00, v28;
	(erf) = vpow2.f32 v22;
	v22 =	vpop (erf)  }
0x209: {  	v20 =	vadd.f32 v8, v20;
	v24 =	vadd.f32 $1.000000000e+00, v24;
	v28 =	vmul.f32 v22, v19  }
0x20a: {  	v25 =	vadd.f32 $1.000000000e+00, v31;
	v17 =	vadd.f32 v9, v17;
	(erf) = vrcp.f32 v23  }
0x20b: {  	v20 =	vadd.f32 v13, v20;
	v29 =	vadd.f32 $1.000000000e+00, v30;
	(erf) = vrcp.f32 v24;
	v23 =	vpop (erf)  }
0x20c: {  	v19 =	vadd.f32 $1.000000000e+00, v63;
	(erf) = vpow2.f32 v26;
	v21 =	vmul.f32 v23, v21;
	v22 =	vpop (erf)  }
0x20d: {  	s6 =	simm.s32 $0x0;
	v26 =	vadd.f32 v28, v18;
	v23 =	vadd.f32 $1.000000000e+00, v27;
	(erf) = vrcp.f32 v29;
	v28 =	vpop (erf)  }
.LBB2_19:
0x20e: {  	v29 =	vand.u32 $0x7, v16;
	v24 =	vadd.s32 $0xC, v16;
	s6 =	sadd.s32 $0x10, s6;
	(erf) = vrcp.f32 v25;
	v25 =	vpop (erf)  }
0x20f: {  	v27 =	vadd.s32 $0x6, v16;
	v30 =	vadd.s32 $0xD, v16;
	p0 =	slt.u32 s6, $0x70;
	v31 =	vpop (erf);
	(erf) = vrcp.f32 v23  }
0x210: {  	v32 =	vadd.s32 $0x2, v16;
	v23 =	vadd.s32 $0x1, v16;
	v33 =	vpop (erf);
	(erf) = vrcp.f32 v19  }
0x211: {  	v38 =	vand.u32 $0x7F, v23;
	v23 =	vadd.s32 $0x3, v16;
	v39 =	vadd.f32 $1.000000000e+00, v31;
	v34 =	vpop (erf)  }
0x212: {  	v35 =	vor.u32 v3, v16;
	v37 =	vadd.s32 $0x9, v16;
	v36 =	vor.u32 v3, v38;
	v19 =	vpop (erf)  }
0x213: {  	v32 =	vand.u32 $0x7F, v32;
	v40 =	vand.u32 $0x7F, v23;
	(erf) = vrcp.f32 v39;
	v31 =	vpop (erf)  }
0x214: {  	v32 =	vor.u32 v3, v32;
	v38 =	vor.u32 v3, v40;
	v39 =	vadd.f32 $1.000000000e+00, v19;
	v23 =	vpop (erf)  }
0x215: {  	v40 =	vadd.s32 $0x4, v16;
	v34 =	vadd.f32 $1.000000000e+00, v34;
	v19 =	vadd.s32 $0x5, v16;
	v41 =	vpop (erf)  }
0x216: {  	v43 =	vadd.s32 $0x8, v16;
	v33 =	vadd.f32 $1.000000000e+00, v33;
	v42 =	vand.u32 $0x7F, v19;
	v44 =	vpop (erf)  }
0x217: {  	v45 =	vadd.s32 $0x7, v16;
	v42 =	vor.u32 v3, v42;
	v19 =	vld.idx.msk [tilespmem:v35+s17+$0x0], $0xffff;
	v44 =	vmul.f32 v44, v5;
	v5 =	vpop (erf)  }
0x218: {  	v47 =	vand.u32 $0x7F, v27;
	v45 =	vand.u32 $0x7F, v45;
	v46 =	vld.idx.msk [tilespmem:v36+s17+$0x0], $0xffff;
	(erf) = vrcp.f32 v34;
	v27 =	vpop (erf)  }
0x219: {  	v43 =	vand.u32 $0x78, v43;
	v45 =	vor.u32 v3, v45;
	v6 =	vmul.f32 v5, v6;
	v34 =	vld.idx.msk [tilespmem:v38+s17+$0x0], $0xffff;
	v48 =	vpop (erf)  }
0x21a: {  	v50 =	vadd.s32 $0xA, v16;
	v37 =	vand.u32 $0x7F, v37;
	v15 =	vmul.f32 v23, v15;
	v5 =	vld.idx.msk [tilespmem:v32+s17+$0x0], $0xffff  }
0x21b: {  	v37 =	vor.u32 v3, v37;
	v31 =	vmul.f32 v31, v14;
	v23 =	vadd.s32 $0xB, v16;
	v35 =	vld.idx.msk [tilespmem:v35+s21+$0x0], $0xffff  }
0x21c: {  	v23 =	vand.u32 $0x7F, v23;
	v14 =	vld.idx.msk [tilespmem:v36+s21+$0x0], $0xffff;
	v36 =	vand.u32 $0x7F, v50;
	v49 =	vpop (erf);
	(erf) = vrcp.f32 v33  }
0x21d: {  	v24 =	vand.u32 $0x7F, v24;
	v18 =	vadd.f32 v6, v18;
	v33 =	vor.u32 v3, v23;
	v32 =	vld.idx.msk [tilespmem:v32+s21+$0x0], $0xffff  }
0x21e: {  	v30 =	vand.u32 $0x7F, v30;
	v24 =	vor.u32 v3, v24;
	v41 =	vadd.f32 $1.000000000e+00, v41;
	v6 =	vmovc v46;
	v23 =	vld.idx.msk [tilespmem:v42+s17+$0x0], $0xffff  }
0x21f: {  	v28 =	vadd.f32 $1.000000000e+00, v28;
	v30 =	vor.u32 v3, v30;
	v46 =	vor.u32 v3, v47;
	v42 =	vld.idx.msk [tilespmem:v42+s21+$0x0], $0xffff  }
0x220: {  	v26 =	vadd.f32 v44, v26;
	v44 =	vmul.f32 v48, v4;
	v20 =	vadd.f32 v6, v20;
	v47 =	vld.idx.msk [tilespmem:v45+s17+$0x0], $0xffff  }
0x221: {  	v40 =	vand.u32 $0x7F, v40;
	v48 =	vadd.s32 $0xF, v16;
	v49 =	vmul.f32 v49, v1;
	v1 =	vpop (erf)  }
0x222: {  	v48 =	vand.u32 $0x7F, v48;
	v14 =	vmul.f32 $1.442695020e+00, v14;
	v4 =	vld.idx.msk [tilespmem:v37+s17+$0x0], $0xffff;
	v11 =	vmul.f32 v1, v11;
	v1 =	vmovc v34  }
0x223: {  	v29 =	vor.u32 v43, v29;
	v43 =	vor.u32 v3, v48;
	v34 =	vld.idx.msk [tilespmem:v45+s21+$0x0], $0xffff;
	(erf) = vrcp.f32 v41  }
0x224: {  	v40 =	vor.u32 v3, v40;
	v32 =	vmul.f32 $1.442695020e+00, v32;
	v41 =	vld.idx.msk [tilespmem:v46+s17+$0x0], $0xffff;
	(erf) = vpow2.f32 v14  }
0x225: {  	v29 =	vor.u32 v3, v29;
	v14 =	vmul.f32 $1.442695020e+00, v42;
	v11 =	vadd.f32 v11, v26;
	v42 =	vld.idx.msk [tilespmem:v46+s21+$0x0], $0xffff;
	v26 =	vpop (erf)  }
0x226: {  	v18 =	vadd.f32 v49, v18;
	v37 =	vld.idx.msk [tilespmem:v37+s21+$0x0], $0xffff;
	v7 =	vmul.f32 v26, v7;
	(erf) = vrcp.f32 v28  }
0x227: {  	v26 =	vmul.f32 $1.442695020e+00, v35;
	v28 =	vor.u32 v3, v36;
	v35 =	vld.idx.msk [tilespmem:v30+s21+$0x0], $0xffff;
	(erf) = vpow2.f32 v32  }
0x228: {  	v22 =	vmul.f32 v22, v2;
	v2 =	vmovc v47;
	v32 =	vld.idx.msk [tilespmem:v38+s21+$0x0], $0xffff;
	v38 =	vadd.f32 v7, v11;
	(erf) = vrcp.f32 v39  }
0x229: {  	v17 =	vadd.f32 v19, v17;
	v36 =	vld.idx.msk [tilespmem:v43+s21+$0x0], $0xffff;
	(erf) = vpow2.f32 v14;
	v14 =	vadd.f32 v21, v18  }
0x22a: {  	v18 =	vmul.f32 $1.442695020e+00, v34;
	v21 =	vadd.f32 $1.000000000e+00, v25;
	v11 =	vld.idx.msk [tilespmem:v40+s17+$0x0], $0xffff;
	v15 =	vadd.f32 v15, v38;
	v7 =	vmovc v41  }
0x22b: {  	v17 =	vadd.f32 v5, v17;
	v25 =	vld.idx.msk [tilespmem:v40+s21+$0x0], $0xffff;
	(erf) = vpow2.f32 v26;
	v22 =	vadd.f32 v22, v14  }
0x22c: {  	v20 =	vadd.f32 v1, v20;
	v26 =	vmul.f32 $1.442695020e+00, v42;
	v34 =	vld.idx.msk [tilespmem:v28+s21+$0x0], $0xffff;
	v38 =	vpop (erf);
	(erf) = vrcp.f32 v21  }
0x22d: {  	v40 =	vmul.f32 $1.442695020e+00, v37;
	v14 =	vld.idx.msk [tilespmem:v28+s17+$0x0], $0xffff;
	v28 =	vadd.s32 $0xE, v16;
	v37 =	vpop (erf);
	v22 =	vadd.f32 v44, v22  }
0x22e: {  	v20 =	vadd.f32 v23, v20;
	v39 =	vld.idx.msk [tilespmem:v29+s21+$0x0], $0xffff;
	(erf) = vpow2.f32 v18;
	v18 =	vadd.f32 v31, v15  }
0x22f: {  	v28 =	vand.u32 $0x7F, v28;
	v15 =	vld.idx.msk [tilespmem:v29+s17+$0x0], $0xffff;
	v29 =	vmul.f32 $1.442695020e+00, v35;
	(erf) = vpow2.f32 v40;
	v21 =	vpop (erf)  }
0x230: {  	v27 =	vmul.f32 v27, v8;
	v38 =	vmul.f32 v38, v10;
	v28 =	vor.u32 v3, v28;
	v31 =	vld.idx.msk [tilespmem:v33+s17+$0x0], $0xffff;
	v35 =	vpop (erf)  }
0x231: {  	v17 =	vadd.f32 v11, v17;
	v40 =	vmul.f32 $1.442695020e+00, v25;
	v12 =	vmul.f32 v21, v12;
	v33 =	vld.idx.msk [tilespmem:v33+s21+$0x0], $0xffff;
	v10 =	vpop (erf)  }
0x232: {  	v25 =	vadd.f32 $1.000000000e+00, v37;
	v41 =	vmul.f32 $1.442695020e+00, v34;
	v8 =	vld.idx.msk [tilespmem:v30+s17+$0x0], $0xffff;
	v30 =	vpop (erf);
	v34 =	vmul.f32 v10, v9  }
0x233: {  	v20 =	vadd.f32 v2, v20;
	v22 =	vadd.f32 v12, v22;
	v10 =	vld.idx.msk [tilespmem:v24+s17+$0x0], $0xffff;
	(erf) = vpow2.f32 v29  }
0x234: {  	v18 =	vadd.f32 v38, v18;
	v29 =	vadd.f32 $1.000000000e+00, v30;
	v39 =	vmul.f32 $1.442695020e+00, v39;
	v30 =	vld.idx.msk [tilespmem:v43+s17+$0x0], $0xffff;
	v9 =	vpop (erf)  }
0x235: {  	v17 =	vadd.f32 v7, v17;
	v37 =	vadd.f32 $1.000000000e+00, v9;
	v9 =	vld.idx.msk [tilespmem:v28+s17+$0x0], $0xffff;
	(erf) = vpow2.f32 v41;
	v21 =	vpop (erf)  }
0x236: {  	v20 =	vadd.f32 v4, v20;
	v12 =	vmovc v31;
	(erf) = vpow2.f32 v39;
	v13 =	vmul.f32 v21, v13  }
0x237: {  	v17 =	vadd.f32 v15, v17;
	v21 =	vmul.f32 $1.442695020e+00, v33;
	v28 =	vld.idx.msk [tilespmem:v28+s21+$0x0], $0xffff;
	(erf) = vrcp.f32 v37;
	v31 =	vpop (erf)  }
0x238: {  	v22 =	vadd.f32 v27, v22;
	v31 =	vadd.f32 $1.000000000e+00, v31;
	(erf) = vrcp.f32 v29;
	v29 =	vpop (erf)  }
0x239: {  	v27 =	vmul.f32 $1.442695020e+00, v36;
	v17 =	vadd.f32 v14, v17;
	v20 =	vadd.f32 v12, v20  }
0x23a: {  	(erf) = vrcp.f32 v31;
	v31 =	vadd.f32 v34, v18;
	v18 =	vadd.f32 v13, v22;
	v13 =	vmovc v30  }
0x23b: {  	v32 =	vmul.f32 $1.442695020e+00, v32;
	v17 =	vadd.f32 v10, v17;
	v24 =	vld.idx.msk [tilespmem:v24+s21+$0x0], $0xffff;
	(erf) = vpow2.f32 v21  }
0x23c: {  	v20 =	vadd.f32 v8, v20;
	v30 =	vpop (erf);
	(erf) = vpow2.f32 v27  }
0x23d: {  	v17 =	vadd.f32 v9, v17;
	v21 =	vmul.f32 $1.442695020e+00, v28;
	(erf) = vpow2.f32 v32  }
0x23e: {  	v20 =	vadd.f32 v13, v20;
	(erf) = vpow2.f32 v26;
	v22 =	vpop (erf)  }
0x23f: {  	v22 =	vadd.f32 $1.000000000e+00, v22;
	(erf) = vpow2.f32 v40;
	v26 =	vpop (erf)  }
.Ltmp8:
0x240: {  	v27 =	vadd.f32 $1.000000000e+00, v35;
	v26 =	vadd.f32 $1.000000000e+00, v26;
	v28 =	vpop (erf);
	(erf) = vpow2.f32 v21;
	(pc) =	sbr.rel @p0 .LBB2_19-.Ltmp8, $4  }
0x241: {  	v16 =	vadd.s32 $0x10, v16;
	v24 =	vmul.f32 $1.442695020e+00, v24;
	v21 =	vpop (erf);
	(erf) = vrcp.f32 v22  }
0x242: {  	v16 =	vand.u32 $0x7F, v16;
	v32 =	vmul.f32 v28, v19;
	(erf) = vrcp.f32 v26  }
0x243: {  	v19 =	vadd.f32 $1.000000000e+00, v29;
	v21 =	vmul.f32 v21, v23;
	v22 =	vpop (erf);
	(erf) = vpow2.f32 v24  }
0x244: {  	v23 =	vadd.f32 $1.000000000e+00, v30;
	v26 =	vadd.f32 v32, v31;
	(erf) = vrcp.f32 v27;
	v28 =	vpop (erf)  }
0x245: {  	v3 =	vpop (erf)  }
0x246: {  	(erf) = vrcp.f32 v25;
	v16 =	vpop (erf)  }
0x247: {  	v24 =	vpop (erf);
	(erf) = vrcp.f32 v23;
	v16 =	vadd.f32 $1.000000000e+00, v16  }
0x248: {  	v31 =	vpop (erf);
	(erf) = vrcp.f32 v19  }
0x249: {  	v32 =	vadd.f32 $1.000000000e+00, v31;
	(erf) = vrcp.f32 v16  }
0x24a: {  	v33 =	vpop (erf)  }
0x24b: {  	v34 =	vadd.f32 $1.000000000e+00, v24;
	v35 =	vpop (erf);
	(erf) = vrcp.f32 v32  }
0x24c: {  	v36 =	vpop (erf)  }
0x24d: {  	(erf) = vrcp.f32 v34;
	v37 =	vpop (erf)  }
0x24e: {  	v38 =	vpop (erf);
	v23 =	vadd.f32 $1.000000000e+00, v37  }
0x24f: {  	v28 =	vadd.f32 $1.000000000e+00, v28;
	v27 =	vpop (erf)  }
0x250: {  	(erf) = vrcp.f32 v23;
	v29 =	vpop (erf)  }
0x251: {  	v6 =	vmul.f32 v27, v6;
	v39 =	vpop (erf);
	(erf) = vrcp.f32 v28  }
0x252: {  	v16 =	vadd.f32 $1.000000000e+00, v33;
	v5 =	vmul.f32 v38, v5;
	v40 =	vpop (erf)  }
0x253: {  	v3 =	vadd.f32 $1.000000000e+00, v3;
	v6 =	vadd.f32 v6, v18;
	v1 =	vmul.f32 v40, v1  }
0x254: {  	v5 =	vadd.f32 v5, v26;
	(erf) = vrcp.f32 v16;
	v41 =	vpop (erf)  }
0x255: {  	(erf) = vrcp.f32 v3;
	v11 =	vmul.f32 v41, v11;
	v1 =	vadd.f32 v1, v6  }
0x256: {  	v2 =	vmul.f32 v22, v2;
	v42 =	vpop (erf)  }
0x257: {  	v44 =	vmul.f32 v42, v7;
	v43 =	vadd.f32 v11, v5;
	v1 =	vadd.f32 v21, v1  }
0x258: {  	v45 =	vmul.f32 v36, v15  }
0x259: {  	v4 =	vmul.f32 v39, v4;
	v46 =	vpop (erf);
	v3 =	vadd.f32 v44, v43;
	v1 =	vadd.f32 v2, v1  }
0x25a: {  	v47 =	vmul.f32 v35, v14;
	v48 =	vpop (erf)  }
0x25b: {  	v3 =	vadd.f32 v45, v3;
	v1 =	vadd.f32 v4, v1;
	v49 =	vmul.f32 v48, v12  }
0x25c: {  	v50 =	vmul.f32 v29, v8  }
0x25d: {  	v2 =	vmul.f32 v46, v10;
	v51 =	vpop (erf);
	v3 =	vadd.f32 v47, v3;
	v1 =	vadd.f32 v49, v1  }
0x25e: {  	v52 =	vmul.f32 v51, v9;
	v53 =	vpop (erf)  }
0x25f: {  	v2 =	vadd.f32 v2, v3;
	v3 =	vmul.f32 v53, v13;
	v1 =	vadd.f32 v50, v1  }
0x260: {  	v54 =	vadd.f32 v20, v17  }
0x261: {  	v2 =	vadd.f32 v52, v2;
	v1 =	vadd.f32 v3, v1;
	_ =	sdelay $0x1  }
0x262: {  	v3 =	vmul.f32 $5.000000000e-01, v54;
	v1 =	vadd.f32 v1, v2;
	_ =	sdelay $0x1  }
0x263: {  	v1 =	vsub.f32 v3, v1  }
0x264: {  	v55 =	vld [tilespmem:s22+$0x300]  }
0x265: {  	v1 =	vmul.f32 $1.999999960e-02, v1;
	_ =	sdelay $0x1  }
0x266: {  	v1 =	vmul.f32 $1.442695020e+00, v1;
	_ =	sdelay $0x1  }
0x267: {  	v0 =	vshll.u32 v0, $0x4;
	v56 =	vand.u32 $0xF, v55;
	(erf) = vpow2.f32 v1  }
0x268: {  	v0 =	vor.u32 v0, v56;
	_ =	sdelay $0x4  }
0x269: {  	v1 =	vld.idx.msk [tilespmem:v0+s23+$0x0], $0xffff;
	_ =	sdelay $0x2  }
0x26a: {  	v57 =	vpop (erf)  }
0x26b: {  	v2 =	vadd.f32 $1.000000000e+00, v57  }
0x26c: {  	v1 =	vmul.f32 $1.442695020e+00, v1  }
0x26d: {  	(erf) = vrcp.f32 v2  }
0x26e: {  	(erf) = vpow2.f32 v1;
	_ =	sdelay $0x5  }
0x26f: {  	v0 =	vld.idx.msk [tilespmem:v0+s24+$0x0], $0xffff;
	_ =	sdelay $0x1  }
0x270: {  	v58 =	vpop (erf)  }
0x271: {  	v59 =	vpop (erf)  }
0x272: {  	v2 =	vadd.f32 $1.000000000e+00, v59  }
0x273: {  	v0 =	vmul.f32 $1.442695020e+00, v0  }
0x274: {  	(erf) = vrcp.f32 v2  }
0x275: {  	(erf) = vpow2.f32 v0;
	_ =	sdelay $0x7  }
0x276: {  	v60 =	vpop (erf)  }
0x277: {  	v61 =	vpop (erf)  }
0x278: {  	v2 =	vadd.f32 $1.000000000e+00, v61;
	_ =	sdelay $0x1  }
0x279: {  	(erf) = vrcp.f32 v2;
	_ =	sdelay $0x7  }
0x27a: {  	v0 =	vmul.f32 $4.000000060e-01, v60  }
0x27b: {  	v1 =	vsub.f32 $1.000000000e+00, v58;
	v2 =	vpop (erf)  }
0x27c: {  	v0 =	vadd.f32 $-4.000000060e-01, v0;
	v2 =	vmul.f32 $4.000000060e-01, v2  }
0x27d: {  	v62 =	vsub.f32 $1.000000000e+00, v1  }
0x27e: {  	s3 =	sadd.s32 $0x1, s3;
	v0 =	vadd.f32 $1.000000000e+00, v0;
	v2 =	vsub.f32 $4.000000060e-01, v2  }
0x27f: {  	p0 =	sne.s32 s3, $0x8  }
.Ltmp9:
0x280: {  	v0 =	vmul.f32 v0, v1;
	v63 =	vmul.f32 v2, v62;
	(pc) =	sbr.rel @p0 .LBB2_18-.Ltmp9, $3  }
0x281: {  	_ = 	snop  }
0x282: {  	v0 =	vadd.f32 v63, v0;
	_ =	sdelay $0x1  }
0x283: {  	[tilespmem:s22+$0x9600] =	vst v0  }
0x284: {  	s3 =	simm.s32 $0x0  }
0x285: {  	[hbm4b:s14+s3] =	stream.linear.scatter [tilespmem:s7], [sflag:$0x3], $0x80, $0x38;
	[tilespmem:$0x12700] =	vst v63  }
0x286: {  	_ =	swait.ge [sflag:s19], $0x4000  }
0x287: {  	[sflag:s19] =	ssyncset.done $0x0  }
0x288: {  	[sflag:s19] =	ssyncadd.s32 $0xFFFFC000  }
0x289: {  	_ =	swait.ge [sflag:s19], $0x4000  }
0x28a: {  	[sflag:s19] =	ssyncset.done $0x0  }
0x28b: {  	[sflag:s19] =	ssyncadd.s32 $0xFFFFC000  }
0x28c: {  	_ =	swait.ge [sflag:s19], $0x800  }
0x28d: {  	[sflag:s19] =	ssyncset.done $0x0  }
0x28e: {  	[sflag:s19] =	ssyncadd.s32 $0xFFFFF800  }
0x28f: {  	_ =	swait.ge [sflag:s19], $0x800  }
0x290: {  	[sflag:s19] =	ssyncset.done $0x0  }
0x291: {  	[sflag:s19] =	ssyncadd.s32 $0xFFFFF800  }
0x292: {  	_ =	swait.ge [sflag:s0], $0x80  }
0x293: {  	[sflag:s0] =	ssyncset.done $0x0  }
0x294: {  	[sflag:s0] =	ssyncadd.s32 $0xFFFFFF80  }
.LBB2_22:
0x295: {  	s22 =	sshll.u32 s3, $0x4;
	v16 =	vlaneseq.u32  }
0x296: {  	v0 =	vor.u32 s22, v16  }
0x297: {  	v1 =	vadd.s32 $0x1, v16;
	v3 =	vshll.u32 v0, $0x7  }
0x298: {  	v1 =	vand.u32 $0x7F, v1;
	v4 =	vor.u32 v3, v16  }
0x299: {  	v7 =	vor.u32 v3, v1  }
0x29a: {  	v2 =	vadd.s32 $0x3, v16  }
0x29b: {  	v5 =	vadd.s32 $0x2, v16;
	v1 =	vand.u32 $0x7F, v2  }
0x29c: {  	v2 =	vand.u32 $0x7F, v5;
	v8 =	vor.u32 v3, v1;
	v1 =	vadd.s32 $0x5, v16  }
0x29d: {  	v2 =	vor.u32 v3, v2;
	v1 =	vand.u32 $0x7F, v1;
	v19 =	vld.idx.msk [tilespmem:v4+s28+$0x0], $0xffff  }
0x29e: {  	v9 =	vor.u32 v3, v1;
	v6 =	vld.idx.msk [tilespmem:v7+s28+$0x0], $0xffff  }
0x29f: {  	v12 =	vld.idx.msk [tilespmem:v4+s26+$0x0], $0xffff  }
0x2a0: {  	v5 =	vadd.s32 $0x7, v16;
	v7 =	vld.idx.msk [tilespmem:v7+s26+$0x0], $0xffff  }
0x2a1: {  	v11 =	vand.u32 $0x7F, v5;
	v1 =	vld.idx.msk [tilespmem:v8+s28+$0x0], $0xffff  }
0x2a2: {  	v11 =	vor.u32 v3, v11;
	v4 =	vadd.s32 $0x6, v16;
	v13 =	vld.idx.msk [tilespmem:v2+s26+$0x0], $0xffff  }
0x2a3: {  	v10 =	vadd.s32 $0x9, v16;
	v14 =	vand.u32 $0x7, v16;
	v4 =	vand.u32 $0x7F, v4;
	v21 =	vld.idx.msk [tilespmem:v9+s28+$0x0], $0xffff  }
0x2a4: {  	v17 =	vadd.s32 $0x4, v16;
	v10 =	vand.u32 $0x7F, v10;
	v15 =	vor.u32 v3, v4;
	v9 =	vld.idx.msk [tilespmem:v9+s26+$0x0], $0xffff  }
0x2a5: {  	v17 =	vand.u32 $0x7F, v17;
	v10 =	vor.u32 v3, v10;
	v5 =	vld.idx.msk [tilespmem:v2+s28+$0x0], $0xffff;
	v2 =	vadd.s32 $0xD, v16  }
0x2a6: {  	v17 =	vor.u32 v3, v17;
	v25 =	vld.idx.msk [tilespmem:v8+s26+$0x0], $0xffff;
	v4 =	vadd.s32 $0x8, v16;
	v20 =	vand.u32 $0x7F, v2  }
0x2a7: {  	v2 =	vld.idx.msk [tilespmem:v11+s28+$0x0], $0xffff;
	v18 =	vand.u32 $0x78, v4;
	v4 =	vadd.s32 $0xA, v16;
	v24 =	vmul.f32 $1.442695020e+00, v7  }
0x2a8: {  	v11 =	vld.idx.msk [tilespmem:v11+s26+$0x0], $0xffff;
	v20 =	vor.u32 v3, v20;
	v22 =	vand.u32 $0x7F, v4;
	v13 =	vmul.f32 $1.442695020e+00, v13  }
0x2a9: {  	v14 =	vor.u32 v18, v14;
	v7 =	vld.idx.msk [tilespmem:v15+s28+$0x0], $0xffff;
	(erf) = vpow2.f32 v24;
	v9 =	vmul.f32 $1.442695020e+00, v9  }
0x2aa: {  	v12 =	vmul.f32 $1.442695020e+00, v12;
	v24 =	vld.idx.msk [tilespmem:v15+s26+$0x0], $0xffff;
	v15 =	vor.u32 v3, v22;
	(erf) = vpow2.f32 v13  }
0x2ab: {  	v4 =	vld.idx.msk [tilespmem:v10+s28+$0x0], $0xffff;
	v22 =	vor.u32 v3, v14;
	(erf) = vpow2.f32 v9  }
0x2ac: {  	v23 =	vadd.s32 $0xF, v16;
	v30 =	vadd.s32 $0xE, v16;
	v10 =	vld.idx.msk [tilespmem:v10+s26+$0x0], $0xffff;
	(erf) = vpow2.f32 v12  }
0x2ad: {  	v23 =	vand.u32 $0x7F, v23;
	v8 =	vmul.f32 $1.442695020e+00, v11;
	v11 =	vld.idx.msk [tilespmem:v17+s28+$0x0], $0xffff;
	v9 =	vadd.s32 $0xB, v16  }
0x2ae: {  	v18 =	vimm.f32 $0.0e+00;
	v13 =	vor.u32 v3, v23;
	v23 =	vld.idx.msk [tilespmem:v20+s26+$0x0], $0xffff;
	v9 =	vand.u32 $0x7F, v9  }
0x2af: {  	v12 =	vadd.s32 $0xC, v16;
	v26 =	vld.idx.msk [tilespmem:v15+s26+$0x0], $0xffff;
	(erf) = vpow2.f32 v8;
	v8 =	vor.u32 v3, v9  }
0x2b0: {  	v30 =	vand.u32 $0x7F, v30;
	v9 =	vand.u32 $0x7F, v12;
	v12 =	vadd.f32 v19, v18;
	v27 =	vld.idx.msk [tilespmem:v22+s26+$0x0], $0xffff  }
0x2b1: {  	v14 =	vld.idx.msk [tilespmem:v15+s28+$0x0], $0xffff;
	v28 =	vor.u32 v3, v9;
	v9 =	vadd.f32 v6, v18  }
0x2b2: {  	v10 =	vmul.f32 $1.442695020e+00, v10;
	v15 =	vld.idx.msk [tilespmem:v22+s28+$0x0], $0xffff;
	v22 =	vor.u32 v3, v30;
	v12 =	vadd.f32 v5, v12;
	v31 =	vpop (erf)  }
0x2b3: {  	v29 =	vld.idx.msk [tilespmem:v13+s26+$0x0], $0xffff;
	v23 =	vmul.f32 $1.442695020e+00, v23;
	v9 =	vadd.f32 v1, v9;
	v30 =	vpop (erf)  }
0x2b4: {  	(erf) = vpow2.f32 v10;
	v10 =	vmul.f32 $1.442695020e+00, v26;
	v26 =	vadd.f32 v11, v12;
	v32 =	vld.idx.msk [tilespmem:v8+s26+$0x0], $0xffff;
	v33 =	vpop (erf)  }
0x2b5: {  	v9 =	vadd.f32 v21, v9;
	v12 =	vld.idx.msk [tilespmem:v8+s28+$0x0], $0xffff;
	(erf) = vpow2.f32 v23;
	v23 =	vmul.f32 $1.442695020e+00, v27;
	v27 =	vpop (erf)  }
0x2b6: {  	v8 =	vld.idx.msk [tilespmem:v20+s28+$0x0], $0xffff;
	(erf) = vpow2.f32 v10;
	v20 =	vadd.f32 $1.000000000e+00, v27  }
0x2b7: {  	(erf) = vpow2.f32 v23;
	v23 =	vmul.f32 $1.442695020e+00, v24;
	v24 =	vadd.f32 v2, v9;
	v9 =	vld.idx.msk [tilespmem:v22+s28+$0x0], $0xffff  }
0x2b8: {  	v27 =	vadd.f32 $1.000000000e+00, v33;
	v62 =	vpop (erf);
	v22 =	vld.idx.msk [tilespmem:v22+s26+$0x0], $0xffff;
	(erf) = vrcp.f32 v20  }
0x2b9: {  	v17 =	vld.idx.msk [tilespmem:v17+s26+$0x0], $0xffff;
	v32 =	vmul.f32 $1.442695020e+00, v32;
	v20 =	vadd.f32 $1.000000000e+00, v62  }
0x2ba: {  	v24 =	vadd.f32 v4, v24;
	(erf) = vrcp.f32 v27;
	v27 =	vmul.f32 $1.442695020e+00, v29  }
0x2bb: {  	v26 =	vadd.f32 v7, v26;
	v10 =	vld.idx.msk [tilespmem:v28+s28+$0x0], $0xffff;
	(erf) = vrcp.f32 v20  }
0x2bc: {  	v28 =	vld.idx.msk [tilespmem:v28+s26+$0x0], $0xffff;
	v20 =	vadd.f32 v12, v24;
	v24 =	vmul.f32 $1.442695020e+00, v25;
	(erf) = vpow2.f32 v32  }
0x2bd: {  	v26 =	vadd.f32 v15, v26;
	v63 =	vpop (erf);
	v22 =	vmul.f32 $1.442695020e+00, v22;
	(erf) = vpow2.f32 v27  }
0x2be: {  	v29 =	vmul.f32 $1.442695020e+00, v17;
	v27 =	vpop (erf);
	(erf) = vpow2.f32 v24  }
0x2bf: {  	v16 =	vadd.s32 $0x10, v16;
	v13 =	vld.idx.msk [tilespmem:v13+s28+$0x0], $0xffff;
	v26 =	vadd.f32 v14, v26;
	(erf) = vpow2.f32 v23;
	v23 =	vpop (erf)  }
0x2c0: {  	v16 =	vand.u32 $0x7F, v16;
	v23 =	vadd.f32 $1.000000000e+00, v23;
	(erf) = vpow2.f32 v29;
	v24 =	vpop (erf)  }
0x2c1: {  	v17 =	vadd.f32 v10, v26;
	v26 =	vmul.f32 $1.442695020e+00, v28;
	(erf) = vpow2.f32 v22;
	v22 =	vpop (erf)  }
0x2c2: {  	v20 =	vadd.f32 v8, v20;
	v24 =	vadd.f32 $1.000000000e+00, v24;
	v28 =	vmul.f32 v22, v19  }
0x2c3: {  	v25 =	vadd.f32 $1.000000000e+00, v31;
	v17 =	vadd.f32 v9, v17;
	(erf) = vrcp.f32 v23  }
0x2c4: {  	v20 =	vadd.f32 v13, v20;
	v29 =	vadd.f32 $1.000000000e+00, v30;
	(erf) = vrcp.f32 v24;
	v23 =	vpop (erf)  }
0x2c5: {  	v19 =	vadd.f32 $1.000000000e+00, v63;
	(erf) = vpow2.f32 v26;
	v21 =	vmul.f32 v23, v21;
	v22 =	vpop (erf)  }
0x2c6: {  	s6 =	simm.s32 $0x0;
	v26 =	vadd.f32 v28, v18;
	v23 =	vadd.f32 $1.000000000e+00, v27;
	(erf) = vrcp.f32 v29;
	v28 =	vpop (erf)  }
.LBB2_23:
0x2c7: {  	v29 =	vand.u32 $0x7, v16;
	v24 =	vadd.s32 $0xC, v16;
	s6 =	sadd.s32 $0x10, s6;
	(erf) = vrcp.f32 v25;
	v25 =	vpop (erf)  }
0x2c8: {  	v27 =	vadd.s32 $0x6, v16;
	v30 =	vadd.s32 $0xD, v16;
	p0 =	slt.u32 s6, $0x70;
	v31 =	vpop (erf);
	(erf) = vrcp.f32 v23  }
0x2c9: {  	v32 =	vadd.s32 $0x2, v16;
	v23 =	vadd.s32 $0x1, v16;
	v33 =	vpop (erf);
	(erf) = vrcp.f32 v19  }
0x2ca: {  	v38 =	vand.u32 $0x7F, v23;
	v23 =	vadd.s32 $0x3, v16;
	v39 =	vadd.f32 $1.000000000e+00, v31;
	v34 =	vpop (erf)  }
0x2cb: {  	v35 =	vor.u32 v3, v16;
	v37 =	vadd.s32 $0x9, v16;
	v36 =	vor.u32 v3, v38;
	v19 =	vpop (erf)  }
0x2cc: {  	v32 =	vand.u32 $0x7F, v32;
	v40 =	vand.u32 $0x7F, v23;
	(erf) = vrcp.f32 v39;
	v31 =	vpop (erf)  }
0x2cd: {  	v32 =	vor.u32 v3, v32;
	v38 =	vor.u32 v3, v40;
	v39 =	vadd.f32 $1.000000000e+00, v19;
	v23 =	vpop (erf)  }
0x2ce: {  	v40 =	vadd.s32 $0x4, v16;
	v34 =	vadd.f32 $1.000000000e+00, v34;
	v19 =	vadd.s32 $0x5, v16;
	v41 =	vpop (erf)  }
0x2cf: {  	v43 =	vadd.s32 $0x8, v16;
	v33 =	vadd.f32 $1.000000000e+00, v33;
	v42 =	vand.u32 $0x7F, v19;
	v44 =	vpop (erf)  }
0x2d0: {  	v45 =	vadd.s32 $0x7, v16;
	v42 =	vor.u32 v3, v42;
	v19 =	vld.idx.msk [tilespmem:v35+s28+$0x0], $0xffff;
	v44 =	vmul.f32 v44, v5;
	v5 =	vpop (erf)  }
0x2d1: {  	v47 =	vand.u32 $0x7F, v27;
	v45 =	vand.u32 $0x7F, v45;
	v46 =	vld.idx.msk [tilespmem:v36+s28+$0x0], $0xffff;
	(erf) = vrcp.f32 v34;
	v27 =	vpop (erf)  }
0x2d2: {  	v43 =	vand.u32 $0x78, v43;
	v45 =	vor.u32 v3, v45;
	v6 =	vmul.f32 v5, v6;
	v34 =	vld.idx.msk [tilespmem:v38+s28+$0x0], $0xffff;
	v48 =	vpop (erf)  }
0x2d3: {  	v50 =	vadd.s32 $0xA, v16;
	v37 =	vand.u32 $0x7F, v37;
	v15 =	vmul.f32 v23, v15;
	v5 =	vld.idx.msk [tilespmem:v32+s28+$0x0], $0xffff  }
0x2d4: {  	v37 =	vor.u32 v3, v37;
	v31 =	vmul.f32 v31, v14;
	v23 =	vadd.s32 $0xB, v16;
	v35 =	vld.idx.msk [tilespmem:v35+s26+$0x0], $0xffff  }
0x2d5: {  	v23 =	vand.u32 $0x7F, v23;
	v14 =	vld.idx.msk [tilespmem:v36+s26+$0x0], $0xffff;
	v36 =	vand.u32 $0x7F, v50;
	v49 =	vpop (erf);
	(erf) = vrcp.f32 v33  }
0x2d6: {  	v24 =	vand.u32 $0x7F, v24;
	v18 =	vadd.f32 v6, v18;
	v33 =	vor.u32 v3, v23;
	v32 =	vld.idx.msk [tilespmem:v32+s26+$0x0], $0xffff  }
0x2d7: {  	v30 =	vand.u32 $0x7F, v30;
	v24 =	vor.u32 v3, v24;
	v41 =	vadd.f32 $1.000000000e+00, v41;
	v6 =	vmovc v46;
	v23 =	vld.idx.msk [tilespmem:v42+s28+$0x0], $0xffff  }
0x2d8: {  	v28 =	vadd.f32 $1.000000000e+00, v28;
	v30 =	vor.u32 v3, v30;
	v46 =	vor.u32 v3, v47;
	v42 =	vld.idx.msk [tilespmem:v42+s26+$0x0], $0xffff  }
0x2d9: {  	v26 =	vadd.f32 v44, v26;
	v44 =	vmul.f32 v48, v4;
	v20 =	vadd.f32 v6, v20;
	v47 =	vld.idx.msk [tilespmem:v45+s28+$0x0], $0xffff  }
0x2da: {  	v40 =	vand.u32 $0x7F, v40;
	v48 =	vadd.s32 $0xF, v16;
	v49 =	vmul.f32 v49, v1;
	v1 =	vpop (erf)  }
0x2db: {  	v48 =	vand.u32 $0x7F, v48;
	v14 =	vmul.f32 $1.442695020e+00, v14;
	v4 =	vld.idx.msk [tilespmem:v37+s28+$0x0], $0xffff;
	v11 =	vmul.f32 v1, v11;
	v1 =	vmovc v34  }
0x2dc: {  	v29 =	vor.u32 v43, v29;
	v43 =	vor.u32 v3, v48;
	v34 =	vld.idx.msk [tilespmem:v45+s26+$0x0], $0xffff;
	(erf) = vrcp.f32 v41  }
0x2dd: {  	v40 =	vor.u32 v3, v40;
	v32 =	vmul.f32 $1.442695020e+00, v32;
	v41 =	vld.idx.msk [tilespmem:v46+s28+$0x0], $0xffff;
	(erf) = vpow2.f32 v14  }
0x2de: {  	v29 =	vor.u32 v3, v29;
	v14 =	vmul.f32 $1.442695020e+00, v42;
	v11 =	vadd.f32 v11, v26;
	v42 =	vld.idx.msk [tilespmem:v46+s26+$0x0], $0xffff;
	v26 =	vpop (erf)  }
0x2df: {  	v18 =	vadd.f32 v49, v18;
	v37 =	vld.idx.msk [tilespmem:v37+s26+$0x0], $0xffff;
	v7 =	vmul.f32 v26, v7;
	(erf) = vrcp.f32 v28  }
0x2e0: {  	v26 =	vmul.f32 $1.442695020e+00, v35;
	v28 =	vor.u32 v3, v36;
	v35 =	vld.idx.msk [tilespmem:v30+s26+$0x0], $0xffff;
	(erf) = vpow2.f32 v32  }
0x2e1: {  	v22 =	vmul.f32 v22, v2;
	v2 =	vmovc v47;
	v32 =	vld.idx.msk [tilespmem:v38+s26+$0x0], $0xffff;
	v38 =	vadd.f32 v7, v11;
	(erf) = vrcp.f32 v39  }
0x2e2: {  	v17 =	vadd.f32 v19, v17;
	v36 =	vld.idx.msk [tilespmem:v43+s26+$0x0], $0xffff;
	(erf) = vpow2.f32 v14;
	v14 =	vadd.f32 v21, v18  }
0x2e3: {  	v18 =	vmul.f32 $1.442695020e+00, v34;
	v21 =	vadd.f32 $1.000000000e+00, v25;
	v11 =	vld.idx.msk [tilespmem:v40+s28+$0x0], $0xffff;
	v15 =	vadd.f32 v15, v38;
	v7 =	vmovc v41  }
0x2e4: {  	v17 =	vadd.f32 v5, v17;
	v25 =	vld.idx.msk [tilespmem:v40+s26+$0x0], $0xffff;
	(erf) = vpow2.f32 v26;
	v22 =	vadd.f32 v22, v14  }
0x2e5: {  	v20 =	vadd.f32 v1, v20;
	v26 =	vmul.f32 $1.442695020e+00, v42;
	v34 =	vld.idx.msk [tilespmem:v28+s26+$0x0], $0xffff;
	v38 =	vpop (erf);
	(erf) = vrcp.f32 v21  }
0x2e6: {  	v40 =	vmul.f32 $1.442695020e+00, v37;
	v14 =	vld.idx.msk [tilespmem:v28+s28+$0x0], $0xffff;
	v28 =	vadd.s32 $0xE, v16;
	v37 =	vpop (erf);
	v22 =	vadd.f32 v44, v22  }
0x2e7: {  	v20 =	vadd.f32 v23, v20;
	v39 =	vld.idx.msk [tilespmem:v29+s26+$0x0], $0xffff;
	(erf) = vpow2.f32 v18;
	v18 =	vadd.f32 v31, v15  }
0x2e8: {  	v28 =	vand.u32 $0x7F, v28;
	v15 =	vld.idx.msk [tilespmem:v29+s28+$0x0], $0xffff;
	v29 =	vmul.f32 $1.442695020e+00, v35;
	(erf) = vpow2.f32 v40;
	v21 =	vpop (erf)  }
0x2e9: {  	v27 =	vmul.f32 v27, v8;
	v38 =	vmul.f32 v38, v10;
	v28 =	vor.u32 v3, v28;
	v31 =	vld.idx.msk [tilespmem:v33+s28+$0x0], $0xffff;
	v35 =	vpop (erf)  }
0x2ea: {  	v17 =	vadd.f32 v11, v17;
	v40 =	vmul.f32 $1.442695020e+00, v25;
	v12 =	vmul.f32 v21, v12;
	v33 =	vld.idx.msk [tilespmem:v33+s26+$0x0], $0xffff;
	v10 =	vpop (erf)  }
0x2eb: {  	v25 =	vadd.f32 $1.000000000e+00, v37;
	v41 =	vmul.f32 $1.442695020e+00, v34;
	v8 =	vld.idx.msk [tilespmem:v30+s28+$0x0], $0xffff;
	v30 =	vpop (erf);
	v34 =	vmul.f32 v10, v9  }
0x2ec: {  	v20 =	vadd.f32 v2, v20;
	v22 =	vadd.f32 v12, v22;
	v10 =	vld.idx.msk [tilespmem:v24+s28+$0x0], $0xffff;
	(erf) = vpow2.f32 v29  }
0x2ed: {  	v18 =	vadd.f32 v38, v18;
	v29 =	vadd.f32 $1.000000000e+00, v30;
	v39 =	vmul.f32 $1.442695020e+00, v39;
	v30 =	vld.idx.msk [tilespmem:v43+s28+$0x0], $0xffff;
	v9 =	vpop (erf)  }
0x2ee: {  	v17 =	vadd.f32 v7, v17;
	v37 =	vadd.f32 $1.000000000e+00, v9;
	v9 =	vld.idx.msk [tilespmem:v28+s28+$0x0], $0xffff;
	(erf) = vpow2.f32 v41;
	v21 =	vpop (erf)  }
0x2ef: {  	v20 =	vadd.f32 v4, v20;
	v12 =	vmovc v31;
	(erf) = vpow2.f32 v39;
	v13 =	vmul.f32 v21, v13  }
0x2f0: {  	v17 =	vadd.f32 v15, v17;
	v21 =	vmul.f32 $1.442695020e+00, v33;
	v28 =	vld.idx.msk [tilespmem:v28+s26+$0x0], $0xffff;
	(erf) = vrcp.f32 v37;
	v31 =	vpop (erf)  }
0x2f1: {  	v22 =	vadd.f32 v27, v22;
	v31 =	vadd.f32 $1.000000000e+00, v31;
	(erf) = vrcp.f32 v29;
	v29 =	vpop (erf)  }
0x2f2: {  	v27 =	vmul.f32 $1.442695020e+00, v36;
	v17 =	vadd.f32 v14, v17;
	v20 =	vadd.f32 v12, v20  }
0x2f3: {  	(erf) = vrcp.f32 v31;
	v31 =	vadd.f32 v34, v18;
	v18 =	vadd.f32 v13, v22;
	v13 =	vmovc v30  }
0x2f4: {  	v32 =	vmul.f32 $1.442695020e+00, v32;
	v17 =	vadd.f32 v10, v17;
	v24 =	vld.idx.msk [tilespmem:v24+s26+$0x0], $0xffff;
	(erf) = vpow2.f32 v21  }
0x2f5: {  	v20 =	vadd.f32 v8, v20;
	v30 =	vpop (erf);
	(erf) = vpow2.f32 v27  }
0x2f6: {  	v17 =	vadd.f32 v9, v17;
	v21 =	vmul.f32 $1.442695020e+00, v28;
	(erf) = vpow2.f32 v32  }
0x2f7: {  	v20 =	vadd.f32 v13, v20;
	(erf) = vpow2.f32 v26;
	v22 =	vpop (erf)  }
0x2f8: {  	v22 =	vadd.f32 $1.000000000e+00, v22;
	(erf) = vpow2.f32 v40;
	v26 =	vpop (erf)  }
.Ltmp10:
0x2f9: {  	v27 =	vadd.f32 $1.000000000e+00, v35;
	v26 =	vadd.f32 $1.000000000e+00, v26;
	v28 =	vpop (erf);
	(erf) = vpow2.f32 v21;
	(pc) =	sbr.rel @p0 .LBB2_23-.Ltmp10, $4  }
0x2fa: {  	v16 =	vadd.s32 $0x10, v16;
	v24 =	vmul.f32 $1.442695020e+00, v24;
	v21 =	vpop (erf);
	(erf) = vrcp.f32 v22  }
0x2fb: {  	v16 =	vand.u32 $0x7F, v16;
	v32 =	vmul.f32 v28, v19;
	(erf) = vrcp.f32 v26  }
0x2fc: {  	v19 =	vadd.f32 $1.000000000e+00, v29;
	v21 =	vmul.f32 v21, v23;
	v22 =	vpop (erf);
	(erf) = vpow2.f32 v24  }
0x2fd: {  	v23 =	vadd.f32 $1.000000000e+00, v30;
	v26 =	vadd.f32 v32, v31;
	(erf) = vrcp.f32 v27;
	v28 =	vpop (erf)  }
0x2fe: {  	v3 =	vpop (erf)  }
0x2ff: {  	(erf) = vrcp.f32 v25;
	v16 =	vpop (erf)  }
0x300: {  	v24 =	vpop (erf);
	(erf) = vrcp.f32 v23;
	v16 =	vadd.f32 $1.000000000e+00, v16  }
0x301: {  	v31 =	vpop (erf);
	(erf) = vrcp.f32 v19  }
0x302: {  	v32 =	vadd.f32 $1.000000000e+00, v31;
	(erf) = vrcp.f32 v16  }
0x303: {  	v33 =	vpop (erf)  }
0x304: {  	v34 =	vadd.f32 $1.000000000e+00, v24;
	v35 =	vpop (erf);
	(erf) = vrcp.f32 v32  }
0x305: {  	v36 =	vpop (erf)  }
0x306: {  	(erf) = vrcp.f32 v34;
	v37 =	vpop (erf)  }
0x307: {  	v38 =	vpop (erf);
	v23 =	vadd.f32 $1.000000000e+00, v37  }
0x308: {  	v28 =	vadd.f32 $1.000000000e+00, v28;
	v27 =	vpop (erf)  }
0x309: {  	(erf) = vrcp.f32 v23;
	v29 =	vpop (erf)  }
0x30a: {  	v6 =	vmul.f32 v27, v6;
	v39 =	vpop (erf);
	(erf) = vrcp.f32 v28  }
0x30b: {  	v16 =	vadd.f32 $1.000000000e+00, v33;
	v5 =	vmul.f32 v38, v5;
	v40 =	vpop (erf)  }
0x30c: {  	v3 =	vadd.f32 $1.000000000e+00, v3;
	v6 =	vadd.f32 v6, v18;
	v1 =	vmul.f32 v40, v1  }
0x30d: {  	v5 =	vadd.f32 v5, v26;
	(erf) = vrcp.f32 v16;
	v41 =	vpop (erf)  }
0x30e: {  	(erf) = vrcp.f32 v3;
	v11 =	vmul.f32 v41, v11;
	v1 =	vadd.f32 v1, v6  }
0x30f: {  	v2 =	vmul.f32 v22, v2;
	v42 =	vpop (erf)  }
0x310: {  	v44 =	vmul.f32 v42, v7;
	v43 =	vadd.f32 v11, v5;
	v1 =	vadd.f32 v21, v1  }
0x311: {  	v45 =	vmul.f32 v36, v15  }
0x312: {  	v4 =	vmul.f32 v39, v4;
	v46 =	vpop (erf);
	v3 =	vadd.f32 v44, v43;
	v1 =	vadd.f32 v2, v1  }
0x313: {  	v47 =	vmul.f32 v35, v14;
	v48 =	vpop (erf)  }
0x314: {  	v3 =	vadd.f32 v45, v3;
	v1 =	vadd.f32 v4, v1;
	v49 =	vmul.f32 v48, v12  }
0x315: {  	v50 =	vmul.f32 v29, v8  }
0x316: {  	v2 =	vmul.f32 v46, v10;
	v51 =	vpop (erf);
	v3 =	vadd.f32 v47, v3;
	v1 =	vadd.f32 v49, v1  }
0x317: {  	v52 =	vmul.f32 v51, v9;
	v53 =	vpop (erf)  }
0x318: {  	v2 =	vadd.f32 v2, v3;
	v3 =	vmul.f32 v53, v13;
	v1 =	vadd.f32 v50, v1  }
0x319: {  	v54 =	vadd.f32 v20, v17  }
0x31a: {  	v2 =	vadd.f32 v52, v2;
	v1 =	vadd.f32 v3, v1;
	_ =	sdelay $0x1  }
0x31b: {  	v3 =	vmul.f32 $5.000000000e-01, v54;
	v1 =	vadd.f32 v1, v2;
	_ =	sdelay $0x1  }
0x31c: {  	v1 =	vsub.f32 v3, v1  }
0x31d: {  	v55 =	vld [tilespmem:s22+$0x380]  }
0x31e: {  	v1 =	vmul.f32 $1.999999960e-02, v1;
	_ =	sdelay $0x1  }
0x31f: {  	v1 =	vmul.f32 $1.442695020e+00, v1;
	_ =	sdelay $0x1  }
0x320: {  	v0 =	vshll.u32 v0, $0x4;
	v56 =	vand.u32 $0xF, v55;
	(erf) = vpow2.f32 v1  }
0x321: {  	v0 =	vor.u32 v0, v56;
	_ =	sdelay $0x4  }
0x322: {  	v1 =	vld.idx.msk [tilespmem:v0+s30+$0x0], $0xffff;
	_ =	sdelay $0x2  }
0x323: {  	v57 =	vpop (erf)  }
0x324: {  	v2 =	vadd.f32 $1.000000000e+00, v57  }
0x325: {  	v1 =	vmul.f32 $1.442695020e+00, v1  }
0x326: {  	(erf) = vrcp.f32 v2  }
0x327: {  	(erf) = vpow2.f32 v1;
	_ =	sdelay $0x5  }
0x328: {  	v0 =	vld.idx.msk [tilespmem:v0+s31+$0x0], $0xffff;
	_ =	sdelay $0x1  }
0x329: {  	v58 =	vpop (erf)  }
0x32a: {  	v59 =	vpop (erf)  }
0x32b: {  	v2 =	vadd.f32 $1.000000000e+00, v59  }
0x32c: {  	v0 =	vmul.f32 $1.442695020e+00, v0  }
0x32d: {  	(erf) = vrcp.f32 v2  }
0x32e: {  	(erf) = vpow2.f32 v0;
	_ =	sdelay $0x7  }
0x32f: {  	v60 =	vpop (erf)  }
0x330: {  	v61 =	vpop (erf)  }
0x331: {  	v2 =	vadd.f32 $1.000000000e+00, v61;
	_ =	sdelay $0x1  }
0x332: {  	(erf) = vrcp.f32 v2;
	_ =	sdelay $0x7  }
0x333: {  	v0 =	vmul.f32 $4.000000060e-01, v60  }
0x334: {  	v1 =	vsub.f32 $1.000000000e+00, v58;
	v2 =	vpop (erf)  }
0x335: {  	v0 =	vadd.f32 $-4.000000060e-01, v0;
	v2 =	vmul.f32 $4.000000060e-01, v2  }
0x336: {  	v62 =	vsub.f32 $1.000000000e+00, v1  }
0x337: {  	s3 =	sadd.s32 $0x1, s3;
	v0 =	vadd.f32 $1.000000000e+00, v0;
	v2 =	vsub.f32 $4.000000060e-01, v2  }
0x338: {  	p0 =	sne.s32 s3, $0x8  }
.Ltmp11:
0x339: {  	v0 =	vmul.f32 v0, v1;
	v63 =	vmul.f32 v2, v62;
	(pc) =	sbr.rel @p0 .LBB2_22-.Ltmp11, $3  }
0x33a: {  	_ = 	snop  }
0x33b: {  	v0 =	vadd.f32 v63, v0;
	_ =	sdelay $0x1  }
0x33c: {  	[tilespmem:s22+$0x12680] =	vst v0  }
0x33d: {  	s3 =	simm.s32 $0x12680;
	s18 =	sadd.s32 $0x1, s18  }
0x33e: {  	[hbm4b:s15+s2] =	stream.linear.scatter [tilespmem:s3], [sflag:$0x4], $0x80, $0x38;
	[tilespmem:$0x12700] =	vst v63  }
0x33f: {  	p0 =	sne.s32 s18, s16;
	_ =	swait.ge [sflag:s29], $0x80  }
.Ltmp12:
0x340: {  	[sflag:s29] =	ssyncset.done $0x0;
	(pc) =	sbr.rel @p0 .LBB2_1-.Ltmp12, $4  }
0x341: {  	[sflag:s29] =	ssyncadd.s32 $0xFFFFFF80  }
0x342: {  	_ =	swait.ge [sflag:s0], $0x80  }
0x343: {  	[sflag:s0] =	ssyncset.done $0x0  }
0x344: {  	[sflag:s0] =	ssyncadd.s32 $0xFFFFFF80  }
0x345: {  	_ =	sfence.sel $0x180000  }
0x346: {  	[bflag:$0x0] =	sbarrier.arrive $0xFFFF  }
0x347: {  	_ =	strace $0x90000047  }
0x348: {  	s0 =	stileid.u32;
	[bflag:$0x2] =	sbarrier.arrive $0xFFFF  }
0x349: {  	p0 =	sne.s32 s0, $0x0;
	s0 =	rddreg [dreg:$0x6]  }
0x34a: {  	s0 =	sadd.s32 @!p0 $0x100000, s0  }
0x34b: {  	[sflag:s0] =	ssyncadd.tile.s32 @!p0 $0x1;
	_ =	shalt  }
.Lfunc_end2:
_tile_overlayer_lowered:
.L_overlay_start_2:
0x34c: {  	(tag) =	ssettag $0x2  }
0x34d: {  	s0 =	rddreg [dreg:$0x0];
	s2 =	stileid.u32  }
0x34e: {  	s1 =	rddreg [dreg:$0x1];
	p0 =	sne.s32 s2, $0x0  }
0x34f: {  	s3 =	rddreg [dreg:$0x2];
	[bflag:$0x3] =	sbarrier.arrive $0xFFFF;
	s2 =	simm.s32 @!p0 $0x1C05  }
0x350: {  	[timem:s3], [sflag:s2] =	dma.local @!p0 [hbm:s0], s1  }
0x351: {  	s0 =	simm.s32 @!p0 $0x5  }
0x352: {  	_ =	swait.ge @!p0 [sflag:s0], s1  }
0x353: {  	s1 =	ssub.s32 @!p0 $0x0, s1;
	[sflag:s0] =	ssyncset.done @!p0 $0x0  }
0x354: {  	[sflag:s0] =	ssyncadd.s32 @!p0 s1  }
0x355: {  	[bflag:$0x3] =	sbarrier.arrive $0xFFFF  }
0x356: {  	_ =	shalt  }

</sc_bundles>
